<compile_context>
chip_gen: v7x
topology: tpu7x:2x2x1
jax: 0.10.2.dev20260603
libtpu: 0.0.44.dev20260713+nightly
codegen_flags: <defaults>
</compile_context>

<pallas_src>
import functools

import jax
import jax.numpy as jnp
from jax import lax
from jax.experimental import pallas as pl
from jax.experimental.pallas import tpu as pltpu
from jax.experimental.pallas import tpu_sc as plsc

B_, S_, D_, T_ = 4, 2048, 1024, 128
N_ = B_ * S_
LAB_ROWS = N_ // 1024
EPS = 1e-8
INV_LN2 = 1.4426950408889634

N_SC = 1024
TOK_TILE = 1024
N_TILES = (N_ - N_SC) // TOK_TILE
SC_TILES = N_SC // TOK_TILE

NC, NS = 2, 16
NW = NC * NS
TOK_PER_W = N_SC // NW
CHI = 32
NCHUNK = TOK_PER_W // CHI
STRIPE = T_ // NS


def _sc_segsum_body(x_hbm, lab_hbm, out_hbm,
                    idx_v, zbuf, buf0, buf1, sem0, sem1):
    c = lax.axis_index("c")
    s = lax.axis_index("s")
    wid = c * NS + s
    tok_base = wid * TOK_PER_W
    bufs = (buf0, buf1)
    sems = (sem0, sem1)

    def src(j):
        return x_hbm.at[pl.ds(tok_base + j * CHI, CHI)]

    pltpu.sync_copy(lab_hbm.at[wid], idx_v)
    pltpu.async_copy(src(0), buf0, sem0)
    if NCHUNK > 1:
        pltpu.async_copy(src(1), buf1, sem1)

    zero = jnp.zeros((16,), jnp.float32)

    def zrow(r, carry):
        for k in range(D_ // 16):
            zbuf[r, pl.ds(k * 16, 16)] = zero
        return carry

    lax.fori_loop(0, STRIPE, zrow, 0)
    pltpu.sync_copy(zbuf, out_hbm.at[pl.ds(c * T_ + s * STRIPE, STRIPE)])
    plsc.subcore_barrier()

    for j in range(NCHUNK):
        b = j % 2
        pltpu.make_async_copy(src(j), bufs[b], sems[b]).wait()
        pltpu.sync_copy(bufs[b], out_hbm.at[idx_v.at[j]], add=True)
        if j + 2 < NCHUNK:
            pltpu.async_copy(src(j + 2), bufs[b], sems[b])


_sc_segsum = functools.partial(
    pl.kernel,
    out_type=jax.ShapeDtypeStruct((NC * T_, D_), jnp.float32),
    mesh=plsc.VectorSubcoreMesh(core_axis_name="c", subcore_axis_name="s"),
    scratch_types=[
        pltpu.VMEM((NCHUNK, CHI), jnp.int32),
        pltpu.VMEM((STRIPE, D_), jnp.float32),
        pltpu.VMEM((CHI, D_), jnp.float32),
        pltpu.VMEM((CHI, D_), jnp.float32),
        pltpu.SemaphoreType.DMA,
        pltpu.SemaphoreType.DMA,
    ],
)(_sc_segsum_body)


def _tc_segsum_body(lab_ref, x_ref, s_ref):
    pid = pl.program_id(0)

    @pl.when(pid == 0)
    def _():
        s_ref[...] = jnp.zeros_like(s_ref)

    lab_row = lab_ref[pl.ds(pid + SC_TILES, 1), :]
    tag_iota = lax.broadcasted_iota(jnp.int32, (T_, 1), 0)
    onehot_t = (lab_row == tag_iota).astype(jnp.float32)
    s_ref[...] += lax.dot_general(
        onehot_t, x_ref[...], (((1,), (0,)), ((), ())),
        preferred_element_type=jnp.float32)


def _epilogue_body(sp_ref, stc_ref, lab_ref, w_ref, b_ref, proto_ref,
                   temp_ref, out_ref):
    S = sp_ref[0] + sp_ref[1] + stc_ref[...]
    temp = temp_ref[0, 0]

    tag_iota = lax.broadcasted_iota(jnp.int32, (T_, 1), 0)
    counts = jnp.zeros((T_, 1), jnp.float32)
    for c in range(LAB_ROWS):
        row = lab_ref[c:c + 1, :]
        oh = (row == tag_iota).astype(jnp.float32)
        counts = counts + jnp.sum(oh, axis=1, keepdims=True)

    sums = lax.dot_general(
        S, w_ref[...], (((1,), (1,)), ((), ())),
        precision=lax.Precision.HIGHEST,
        preferred_element_type=jnp.float32)
    sums = sums + counts * b_ref[...]
    means = sums / jnp.maximum(counts, 1.0)

    mn = means / jnp.maximum(
        jnp.sqrt(jnp.sum(means * means, axis=1, keepdims=True)), EPS)
    proto = proto_ref[...]
    pn = proto / jnp.maximum(
        jnp.sqrt(jnp.sum(proto * proto, axis=1, keepdims=True)), EPS)

    cos_t = lax.dot_general(
        pn, mn, (((1,), (1,)), ((), ())),
        precision=lax.Precision.HIGHEST,
        preferred_element_type=jnp.float32)
    ap_t = -(1.0 - cos_t) / temp

    sim = lax.dot_general(
        pn, pn, (((1,), (1,)), ((), ())),
        precision=lax.Precision.HIGHEST,
        preferred_element_type=jnp.float32)

    BK = 8
    rank_t = jnp.zeros((T_, T_), jnp.float32)
    sim3 = sim[None, :, :]
    jmat = lax.broadcasted_iota(jnp.int32, (BK, T_, T_), 1)
    for kb in range(T_ // BK):
        blk = sim[kb * BK:(kb + 1) * BK, :]
        blk3 = blk[:, None, :]
        kvec = kb * BK + lax.broadcasted_iota(jnp.int32, (BK, T_, T_), 0)
        gt = (blk3 > sim3).astype(jnp.float32)
        eq = jnp.where((blk3 == sim3) & (kvec < jmat), 1.0, 0.0)
        rank_t = rank_t + jnp.sum(gt + eq, axis=0)

    disc_t = jnp.log(rank_t + 2.0) * INV_LN2
    x = ap_t / disc_t

    m = jnp.max(x, axis=0, keepdims=True)
    z = x - m
    lse = jnp.log(jnp.sum(jnp.exp(z), axis=0, keepdims=True))
    logp = z - lse

    eye = (lax.broadcasted_iota(jnp.int32, (T_, T_), 0)
           == lax.broadcasted_iota(jnp.int32, (T_, T_), 1))
    present = counts > 0.0
    val = jnp.where(eye & present, -logp, 0.0)
    total = jnp.sum(jnp.sum(val, axis=1, keepdims=True), axis=0, keepdims=True)
    out_ref[...] = total / jnp.float32(T_)


@jax.jit
def _run(features, labels, W, b, proto, temperature):
    x2 = features.reshape(N_, D_)
    lab1 = labels.reshape(N_).astype(jnp.int32)
    core_off = (jnp.arange(NW, dtype=jnp.int32) // NS * T_)[:, None, None]
    lab3 = lab1[:N_SC].reshape(NW, NCHUNK, CHI) + core_off
    lab2 = lab1.reshape(LAB_ROWS, 1024)
    b2 = b.reshape(1, T_).astype(jnp.float32)
    temp = jnp.asarray(temperature, jnp.float32).reshape(1, 1)

    S_p = _sc_segsum(x2, lab3).reshape(NC, T_, D_)

    S_tc = pl.pallas_call(
        _tc_segsum_body,
        grid=(N_TILES,),
        in_specs=[
            pl.BlockSpec((LAB_ROWS, 1024), lambda g: (0, 0)),
            pl.BlockSpec((TOK_TILE, D_), lambda g: (g + SC_TILES, 0)),
        ],
        out_specs=pl.BlockSpec((T_, D_), lambda g: (0, 0)),
        out_shape=jax.ShapeDtypeStruct((T_, D_), jnp.float32),
    )(lab2.reshape(LAB_ROWS, 1024), x2)

    loss = pl.pallas_call(
        _epilogue_body,
        out_shape=jax.ShapeDtypeStruct((1, 1), jnp.float32),
    )(S_p, S_tc, lab2, W.astype(jnp.float32), b2,
      proto.astype(jnp.float32), temp)
    return loss.reshape(1)


def kernel(features, labels, W, b, proto, temperature=0.3):
    return _run(features, labels, W, b, proto, temperature)

# --- scband reference (transcript-rebuilt; emitter-appended) ---
"""Pipeline reference for scband-discounted-type-loss-87574383165820 (READ-ONLY COPY).

The authoritative reference and input builder live on the scoring server;
editing this copy changes nothing except your own understanding.
"""

import jax, jax.numpy as jnp
import numpy as np

BATCH, SEQ_LEN, HIDDEN_DIM, NUM_TAGS = 4, 2048, 1024, 128


def setup_inputs(seed: int = 0) -> dict:
    key = jax.random.key(seed)
    k1, k2, k3, k4 = jax.random.split(key, 4)
    features = jax.random.normal(k1, (BATCH, SEQ_LEN, HIDDEN_DIM), dtype=jnp.float32)
    labels = jax.random.randint(k2, (BATCH, SEQ_LEN), 0, NUM_TAGS)
    # Linear(hidden_dim -> num_tags): weight [num_tags, hidden_dim], bias [num_tags]
    W = jax.random.normal(k3, (NUM_TAGS, HIDDEN_DIM), dtype=jnp.float32) * 0.02
    b = jnp.zeros((NUM_TAGS,), dtype=jnp.float32)
    # prototype embedding table [num_tags, num_tags]
    proto = jax.random.normal(k4, (NUM_TAGS, NUM_TAGS), dtype=jnp.float32)
    temperature = jnp.float32(0.3)
    return {"features": features, "labels": labels, "W": W, "b": b, "proto": proto, "temperature": temperature}


def _cosine(a, b, eps=1e-8):
    # cosine similarity along last axis, torch-style eps clamping on norms
    na = jnp.maximum(jnp.linalg.norm(a, axis=-1), eps)
    nb = jnp.maximum(jnp.linalg.norm(b, axis=-1), eps)
    return jnp.sum(a * b, axis=-1) / (na * nb)


def reference(features, labels, W, b, proto, temperature=0.3):
    batch, seq_len, dim = features.shape
    T = proto.shape[0]
    # f_output = lnn(features): [B, S, T] -> flatten tokens
    f = features.reshape(-1, dim) @ W.T + b  # [N, T]
    lab = labels.reshape(-1)
    # scatter_(2, labels, 1) == one-hot over tags; masked_select+mean per tag == masked mean
    onehot = jax.nn.one_hot(lab, T, dtype=f.dtype)  # [N, T]
    counts = jnp.sum(onehot, axis=0)  # [T]
    sums = onehot.T @ f  # [T, T] scatter-add of token logits per tag
    means = sums / jnp.maximum(counts, 1.0)[:, None]  # [T, T] per-tag mean embed
    # cos(type_embed_i, proto_j) for all i, j
    cos_mp = _cosine(means[:, None, :], proto[None, :, :])  # [T, T]
    all_pair = -(1.0 - cos_mp) / temperature  # [T, T]
    # discount from rank of proto-proto cosine similarity (sorted descending)
    sim_pp = _cosine(proto[:, None, :], proto[None, :, :])  # [T, T]
    index = jnp.argsort(-sim_pp, axis=1)  # descending sort indices
    rank = jnp.argsort(index, axis=1)
    discount = jnp.log2((rank + 2).astype(f.dtype))  # [T, T]
    all_pair = all_pair / discount
    logp = jax.nn.log_softmax(all_pair, axis=1)  # softmax over j then log
    loss_i = -jnp.diagonal(logp)  # -log(all_pair[i]) for each tag i
    present = counts > 0  # 'continue' when no tokens of tag i
    type_loss = jnp.sum(jnp.where(present, loss_i, 0.0))
    return (type_loss / T).reshape(1)

if __name__ == "__main__":
    import jax
    _d = setup_inputs()
    print(jax.jit(kernel)(*tuple(_d.values())))

</pallas_src>

<mosaic_0001>
#map = affine_map<(d0, d1) -> (0, 0)>
#map1 = affine_map<(d0, d1) -> (0, 0, 0)>
module attributes {stable_mosaic.version = 14 : i64} {
  func.func @_sc_segsum_body(%arg0: i32, %arg1: i32, %arg2: memref<8192x1024xf32, #tpu.memory_space<hbm>>, %arg3: memref<32x1x32xi32, #tpu.memory_space<hbm>>, %arg4: memref<256x1024xf32, #tpu.memory_space<hbm>>, %arg5: memref<1x32xi32, #tpu.memory_space<vmem>>, %arg6: memref<8x1024xf32, #tpu.memory_space<vmem>>, %arg7: memref<32x1024xf32, #tpu.memory_space<vmem>>, %arg8: memref<32x1024xf32, #tpu.memory_space<vmem>>, %arg9: memref<!tpu.dma_semaphore, #tpu.memory_space<semaphore_mem>>, %arg10: memref<!tpu.dma_semaphore, #tpu.memory_space<semaphore_mem>>) attributes {dimension_semantics = [#tpu.dimension_semantics<core_parallel>, #tpu.dimension_semantics<subcore_parallel>], iteration_bounds = array<i64: 2, 16>, scalar_prefetch = 0 : i64, scratch_operands = 6 : i64, tpu.core_type = #tpu.core_type<sc_vector_subcore>, window_params = [{transform_indices = #map}, {transform_indices = #map1}, {transform_indices = #map}]} {
    %mul3A = arith.constant 16 : i32
    %mul3A_0 = arith.muli %arg0, %mul3A : i32
    %add3A = arith.addi %mul3A_0, %arg1 : i32
    %mul3A_1 = arith.constant 32 : i32
    %mul3A_2 = arith.muli %add3A, %mul3A_1 : i32
    "tpu.region"() ({
      %run_scoped3A_24 = tpu.sem_alloc : memref<!tpu.dma_semaphore, #tpu.memory_space<semaphore_mem>>
      %dma_start3A_25 = arith.constant 0 : i32
      %dma_start3A_26 = arith.constant 0 : i32
      %dma_start3A_27 = tpu.memref_slice %arg3[%add3A, %dma_start3A_25, %dma_start3A_26] : memref<32x1x32xi32, #tpu.memory_space<hbm>> -> memref<1x1x32xi32, #tpu.memory_space<hbm>>
      %dma_start3A_28 = tpu.memref_squeeze %dma_start3A_27 : memref<1x1x32xi32, #tpu.memory_space<hbm>> -> memref<1x32xi32, #tpu.memory_space<hbm>>
      %dma_start3A_29 = arith.constant 0 : i32
      %dma_start3A_30 = arith.constant 0 : i32
      %dma_start3A_31 = tpu.memref_slice %arg3[%add3A, %dma_start3A_29, %dma_start3A_30] : memref<32x1x32xi32, #tpu.memory_space<hbm>> -> memref<1x1x32xi32, #tpu.memory_space<hbm>>
      %dma_start3A_32 = tpu.memref_squeeze %dma_start3A_31 : memref<1x1x32xi32, #tpu.memory_space<hbm>> -> memref<1x32xi32, #tpu.memory_space<hbm>>
      tpu.enqueue_dma source(%dma_start3A_32 : memref<1x32xi32, #tpu.memory_space<hbm>>) target(%arg5 : memref<1x32xi32, #tpu.memory_space<vmem>>) target_semaphore(%run_scoped3A_24 : memref<!tpu.dma_semaphore, #tpu.memory_space<semaphore_mem>>)
      %dma_wait3A_33 = arith.constant 0 : i32
      %dma_wait3A_34 = arith.constant 0 : i32
      %dma_wait3A_35 = tpu.memref_slice %arg3[%add3A, %dma_wait3A_33, %dma_wait3A_34] : memref<32x1x32xi32, #tpu.memory_space<hbm>> -> memref<1x1x32xi32, #tpu.memory_space<hbm>>
      %dma_wait3A_36 = tpu.memref_squeeze %dma_wait3A_35 : memref<1x1x32xi32, #tpu.memory_space<hbm>> -> memref<1x32xi32, #tpu.memory_space<hbm>>
      %dma_wait3A_37 = arith.constant 0 : i32
      %dma_wait3A_38 = arith.constant 0 : i32
      %dma_wait3A_39 = tpu.memref_slice %arg3[%add3A, %dma_wait3A_37, %dma_wait3A_38] : memref<32x1x32xi32, #tpu.memory_space<hbm>> -> memref<1x1x32xi32, #tpu.memory_space<hbm>>
      %dma_wait3A_40 = tpu.memref_squeeze %dma_wait3A_39 : memref<1x1x32xi32, #tpu.memory_space<hbm>> -> memref<1x32xi32, #tpu.memory_space<hbm>>
      tpu.wait_dma2 semaphore(%run_scoped3A_24 : memref<!tpu.dma_semaphore, #tpu.memory_space<semaphore_mem>>) src(%dma_wait3A_40 : memref<1x32xi32, #tpu.memory_space<hbm>>) dst(%arg5 : memref<1x32xi32, #tpu.memory_space<vmem>>)
      tpu.yield
    }) : () -> ()
    %add3A_3 = arith.constant 0 : i32
    %add3A_4 = arith.addi %mul3A_2, %add3A_3 : i32
    %dma_start3A = arith.constant 0 : i32
    %dma_start3A_5 = tpu.memref_slice %arg2[%add3A_4, %dma_start3A] : memref<8192x1024xf32, #tpu.memory_space<hbm>> -> memref<32x1024xf32, #tpu.memory_space<hbm>>
    %dma_start3A_6 = arith.constant 0 : i32
    %dma_start3A_7 = tpu.memref_slice %arg2[%add3A_4, %dma_start3A_6] : memref<8192x1024xf32, #tpu.memory_space<hbm>> -> memref<32x1024xf32, #tpu.memory_space<hbm>>
    tpu.enqueue_dma source(%dma_start3A_7 : memref<32x1024xf32, #tpu.memory_space<hbm>>) target(%arg7 : memref<32x1024xf32, #tpu.memory_space<vmem>>) target_semaphore(%arg9 : memref<!tpu.dma_semaphore, #tpu.memory_space<semaphore_mem>>)
    %broadcast_in_dim3A = arith.constant 0.000000e+00 : f32
    %broadcast_in_dim3A_8 = vector.broadcast %broadcast_in_dim3A : f32 to vector<16xf32>
    %scan3A = arith.constant 0 : i32
    %scan3A_9 = arith.constant 0 : i32
    %scan3A_10 = arith.constant 8 : i32
    %scan3A_11 = arith.addi %scan3A_9, %scan3A_10 : i32
    %scan3A_12 = arith.constant 1 : i32
    scf.for %scan3A_24 = %scan3A_9 to %scan3A_11 step %scan3A_12  : i32 {
      %swap3A = arith.index_cast %scan3A_24 : i32 to index
      %swap3A_25 = arith.constant 0 : index
      %swap3A_26 = tpu.vector_load %arg6[%swap3A, %swap3A_25] {strides = array<i32>} : memref<8x1024xf32, #tpu.memory_space<vmem>>, vector<1x16xf32>,
      %swap3A_27 = vector.shape_cast %swap3A_26 : vector<1x16xf32> to vector<16xf32>
      %swap3A_28 = vector.shape_cast %broadcast_in_dim3A_8 : vector<16xf32> to vector<1x16xf32>
      tpu.vector_store %arg6[%swap3A, %swap3A_25], %swap3A_28 {strides = array<i32>} : memref<8x1024xf32, #tpu.memory_space<vmem>>, vector<1x16xf32>,
      %swap3A_29 = arith.index_cast %scan3A_24 : i32 to index
      %swap3A_30 = arith.constant 16 : index
      %swap3A_31 = tpu.vector_load %arg6[%swap3A_29, %swap3A_30] {strides = array<i32>} : memref<8x1024xf32, #tpu.memory_space<vmem>>, vector<1x16xf32>,
      %swap3A_32 = vector.shape_cast %swap3A_31 : vector<1x16xf32> to vector<16xf32>
      %swap3A_33 = vector.shape_cast %broadcast_in_dim3A_8 : vector<16xf32> to vector<1x16xf32>
      tpu.vector_store %arg6[%swap3A_29, %swap3A_30], %swap3A_33 {strides = array<i32>} : memref<8x1024xf32, #tpu.memory_space<vmem>>, vector<1x16xf32>,
      %swap3A_34 = arith.index_cast %scan3A_24 : i32 to index
      %swap3A_35 = arith.constant 32 : index
      %swap3A_36 = tpu.vector_load %arg6[%swap3A_34, %swap3A_35] {strides = array<i32>} : memref<8x1024xf32, #tpu.memory_space<vmem>>, vector<1x16xf32>,
      %swap3A_37 = vector.shape_cast %swap3A_36 : vector<1x16xf32> to vector<16xf32>
      %swap3A_38 = vector.shape_cast %broadcast_in_dim3A_8 : vector<16xf32> to vector<1x16xf32>
      tpu.vector_store %arg6[%swap3A_34, %swap3A_35], %swap3A_38 {strides = array<i32>} : memref<8x1024xf32, #tpu.memory_space<vmem>>, vector<1x16xf32>,
      %swap3A_39 = arith.index_cast %scan3A_24 : i32 to index
      %swap3A_40 = arith.constant 48 : index
      %swap3A_41 = tpu.vector_load %arg6[%swap3A_39, %swap3A_40] {strides = array<i32>} : memref<8x1024xf32, #tpu.memory_space<vmem>>, vector<1x16xf32>,
      %swap3A_42 = vector.shape_cast %swap3A_41 : vector<1x16xf32> to vector<16xf32>
      %swap3A_43 = vector.shape_cast %broadcast_in_dim3A_8 : vector<16xf32> to vector<1x16xf32>
      tpu.vector_store %arg6[%swap3A_39, %swap3A_40], %swap3A_43 {strides = array<i32>} : memref<8x1024xf32, #tpu.memory_space<vmem>>, vector<1x16xf32>,
      %swap3A_44 = arith.index_cast %scan3A_24 : i32 to index
      %swap3A_45 = arith.constant 64 : index
      %swap3A_46 = tpu.vector_load %arg6[%swap3A_44, %swap3A_45] {strides = array<i32>} : memref<8x1024xf32, #tpu.memory_space<vmem>>, vector<1x16xf32>,
      %swap3A_47 = vector.shape_cast %swap3A_46 : vector<1x16xf32> to vector<16xf32>
      %swap3A_48 = vector.shape_cast %broadcast_in_dim3A_8 : vector<16xf32> to vector<1x16xf32>
      tpu.vector_store %arg6[%swap3A_44, %swap3A_45], %swap3A_48 {strides = array<i32>} : memref<8x1024xf32, #tpu.memory_space<vmem>>, vector<1x16xf32>,
      %swap3A_49 = arith.index_cast %scan3A_24 : i32 to index
      %swap3A_50 = arith.constant 80 : index
      %swap3A_51 = tpu.vector_load %arg6[%swap3A_49, %swap3A_50] {strides = array<i32>} : memref<8x1024xf32, #tpu.memory_space<vmem>>, vector<1x16xf32>,
      %swap3A_52 = vector.shape_cast %swap3A_51 : vector<1x16xf32> to vector<16xf32>
      %swap3A_53 = vector.shape_cast %broadcast_in_dim3A_8 : vector<16xf32> to vector<1x16xf32>
      tpu.vector_store %arg6[%swap3A_49, %swap3A_50], %swap3A_53 {strides = array<i32>} : memref<8x1024xf32, #tpu.memory_space<vmem>>, vector<1x16xf32>,
      %swap3A_54 = arith.index_cast %scan3A_24 : i32 to index
      %swap3A_55 = arith.constant 96 : index
      %swap3A_56 = tpu.vector_load %arg6[%swap3A_54, %swap3A_55] {strides = array<i32>} : memref<8x1024xf32, #tpu.memory_space<vmem>>, vector<1x16xf32>,
      %swap3A_57 = vector.shape_cast %swap3A_56 : vector<1x16xf32> to vector<16xf32>
      %swap3A_58 = vector.shape_cast %broadcast_in_dim3A_8 : vector<16xf32> to vector<1x16xf32>
      tpu.vector_store %arg6[%swap3A_54, %swap3A_55], %swap3A_58 {strides = array<i32>} : memref<8x1024xf32, #tpu.memory_space<vmem>>, vector<1x16xf32>,
      %swap3A_59 = arith.index_cast %scan3A_24 : i32 to index
      %swap3A_60 = arith.constant 112 : index
      %swap3A_61 = tpu.vector_load %arg6[%swap3A_59, %swap3A_60] {strides = array<i32>} : memref<8x1024xf32, #tpu.memory_space<vmem>>, vector<1x16xf32>,
      %swap3A_62 = vector.shape_cast %swap3A_61 : vector<1x16xf32> to vector<16xf32>
      %swap3A_63 = vector.shape_cast %broadcast_in_dim3A_8 : vector<16xf32> to vector<1x16xf32>
      tpu.vector_store %arg6[%swap3A_59, %swap3A_60], %swap3A_63 {strides = array<i32>} : memref<8x1024xf32, #tpu.memory_space<vmem>>, vector<1x16xf32>,
      %swap3A_64 = arith.index_cast %scan3A_24 : i32 to index
      %swap3A_65 = arith.constant 128 : index
      %swap3A_66 = tpu.vector_load %arg6[%swap3A_64, %swap3A_65] {strides = array<i32>} : memref<8x1024xf32, #tpu.memory_space<vmem>>, vector<1x16xf32>,
      %swap3A_67 = vector.shape_cast %swap3A_66 : vector<1x16xf32> to vector<16xf32>
      %swap3A_68 = vector.shape_cast %broadcast_in_dim3A_8 : vector<16xf32> to vector<1x16xf32>
      tpu.vector_store %arg6[%swap3A_64, %swap3A_65], %swap3A_68 {strides = array<i32>} : memref<8x1024xf32, #tpu.memory_space<vmem>>, vector<1x16xf32>,
      %swap3A_69 = arith.index_cast %scan3A_24 : i32 to index
      %swap3A_70 = arith.constant 144 : index
      %swap3A_71 = tpu.vector_load %arg6[%swap3A_69, %swap3A_70] {strides = array<i32>} : memref<8x1024xf32, #tpu.memory_space<vmem>>, vector<1x16xf32>,
      %swap3A_72 = vector.shape_cast %swap3A_71 : vector<1x16xf32> to vector<16xf32>
      %swap3A_73 = vector.shape_cast %broadcast_in_dim3A_8 : vector<16xf32> to vector<1x16xf32>
      tpu.vector_store %arg6[%swap3A_69, %swap3A_70], %swap3A_73 {strides = array<i32>} : memref<8x1024xf32, #tpu.memory_space<vmem>>, vector<1x16xf32>,
      %swap3A_74 = arith.index_cast %scan3A_24 : i32 to index
      %swap3A_75 = arith.constant 160 : index
      %swap3A_76 = tpu.vector_load %arg6[%swap3A_74, %swap3A_75] {strides = array<i32>} : memref<8x1024xf32, #tpu.memory_space<vmem>>, vector<1x16xf32>,
      %swap3A_77 = vector.shape_cast %swap3A_76 : vector<1x16xf32> to vector<16xf32>
      %swap3A_78 = vector.shape_cast %broadcast_in_dim3A_8 : vector<16xf32> to vector<1x16xf32>
      tpu.vector_store %arg6[%swap3A_74, %swap3A_75], %swap3A_78 {strides = array<i32>} : memref<8x1024xf32, #tpu.memory_space<vmem>>, vector<1x16xf32>,
      %swap3A_79 = arith.index_cast %scan3A_24 : i32 to index
      %swap3A_80 = arith.constant 176 : index
      %swap3A_81 = tpu.vector_load %arg6[%swap3A_79, %swap3A_80] {strides = array<i32>} : memref<8x1024xf32, #tpu.memory_space<vmem>>, vector<1x16xf32>,
      %swap3A_82 = vector.shape_cast %swap3A_81 : vector<1x16xf32> to vector<16xf32>
      %swap3A_83 = vector.shape_cast %broadcast_in_dim3A_8 : vector<16xf32> to vector<1x16xf32>
      tpu.vector_store %arg6[%swap3A_79, %swap3A_80], %swap3A_83 {strides = array<i32>} : memref<8x1024xf32, #tpu.memory_space<vmem>>, vector<1x16xf32>,
      %swap3A_84 = arith.index_cast %scan3A_24 : i32 to index
      %swap3A_85 = arith.constant 192 : index
      %swap3A_86 = tpu.vector_load %arg6[%swap3A_84, %swap3A_85] {strides = array<i32>} : memref<8x1024xf32, #tpu.memory_space<vmem>>, vector<1x16xf32>,
      %swap3A_87 = vector.shape_cast %swap3A_86 : vector<1x16xf32> to vector<16xf32>
      %swap3A_88 = vector.shape_cast %broadcast_in_dim3A_8 : vector<16xf32> to vector<1x16xf32>
      tpu.vector_store %arg6[%swap3A_84, %swap3A_85], %swap3A_88 {strides = array<i32>} : memref<8x1024xf32, #tpu.memory_space<vmem>>, vector<1x16xf32>,
      %swap3A_89 = arith.index_cast %scan3A_24 : i32 to index
      %swap3A_90 = arith.constant 208 : index
      %swap3A_91 = tpu.vector_load %arg6[%swap3A_89, %swap3A_90] {strides = array<i32>} : memref<8x1024xf32, #tpu.memory_space<vmem>>, vector<1x16xf32>,
      %swap3A_92 = vector.shape_cast %swap3A_91 : vector<1x16xf32> to vector<16xf32>
      %swap3A_93 = vector.shape_cast %broadcast_in_dim3A_8 : vector<16xf32> to vector<1x16xf32>
      tpu.vector_store %arg6[%swap3A_89, %swap3A_90], %swap3A_93 {strides = array<i32>} : memref<8x1024xf32, #tpu.memory_space<vmem>>, vector<1x16xf32>,
      %swap3A_94 = arith.index_cast %scan3A_24 : i32 to index
      %swap3A_95 = arith.constant 224 : index
      %swap3A_96 = tpu.vector_load %arg6[%swap3A_94, %swap3A_95] {strides = array<i32>} : memref<8x1024xf32, #tpu.memory_space<vmem>>, vector<1x16xf32>,
      %swap3A_97 = vector.shape_cast %swap3A_96 : vector<1x16xf32> to vector<16xf32>
      %swap3A_98 = vector.shape_cast %broadcast_in_dim3A_8 : vector<16xf32> to vector<1x16xf32>
      tpu.vector_store %arg6[%swap3A_94, %swap3A_95], %swap3A_98 {strides = array<i32>} : memref<8x1024xf32, #tpu.memory_space<vmem>>, vector<1x16xf32>,
      %swap3A_99 = arith.index_cast %scan3A_24 : i32 to index
      %swap3A_100 = arith.constant 240 : index
      %swap3A_101 = tpu.vector_load %arg6[%swap3A_99, %swap3A_100] {strides = array<i32>} : memref<8x1024xf32, #tpu.memory_space<vmem>>, vector<1x16xf32>,
      %swap3A_102 = vector.shape_cast %swap3A_101 : vector<1x16xf32> to vector<16xf32>
      %swap3A_103 = vector.shape_cast %broadcast_in_dim3A_8 : vector<16xf32> to vector<1x16xf32>
      tpu.vector_store %arg6[%swap3A_99, %swap3A_100], %swap3A_103 {strides = array<i32>} : memref<8x1024xf32, #tpu.memory_space<vmem>>, vector<1x16xf32>,
      %swap3A_104 = arith.index_cast %scan3A_24 : i32 to index
      %swap3A_105 = arith.constant 256 : index
      %swap3A_106 = tpu.vector_load %arg6[%swap3A_104, %swap3A_105] {strides = array<i32>} : memref<8x1024xf32, #tpu.memory_space<vmem>>, vector<1x16xf32>,
      %swap3A_107 = vector.shape_cast %swap3A_106 : vector<1x16xf32> to vector<16xf32>
      %swap3A_108 = vector.shape_cast %broadcast_in_dim3A_8 : vector<16xf32> to vector<1x16xf32>
      tpu.vector_store %arg6[%swap3A_104, %swap3A_105], %swap3A_108 {strides = array<i32>} : memref<8x1024xf32, #tpu.memory_space<vmem>>, vector<1x16xf32>,
      %swap3A_109 = arith.index_cast %scan3A_24 : i32 to index
      %swap3A_110 = arith.constant 272 : index
      %swap3A_111 = tpu.vector_load %arg6[%swap3A_109, %swap3A_110] {strides = array<i32>} : memref<8x1024xf32, #tpu.memory_space<vmem>>, vector<1x16xf32>,
      %swap3A_112 = vector.shape_cast %swap3A_111 : vector<1x16xf32> to vector<16xf32>
      %swap3A_113 = vector.shape_cast %broadcast_in_dim3A_8 : vector<16xf32> to vector<1x16xf32>
      tpu.vector_store %arg6[%swap3A_109, %swap3A_110], %swap3A_113 {strides = array<i32>} : memref<8x1024xf32, #tpu.memory_space<vmem>>, vector<1x16xf32>,
      %swap3A_114 = arith.index_cast %scan3A_24 : i32 to index
      %swap3A_115 = arith.constant 288 : index
      %swap3A_116 = tpu.vector_load %arg6[%swap3A_114, %swap3A_115] {strides = array<i32>} : memref<8x1024xf32, #tpu.memory_space<vmem>>, vector<1x16xf32>,
      %swap3A_117 = vector.shape_cast %swap3A_116 : vector<1x16xf32> to vector<16xf32>
      %swap3A_118 = vector.shape_cast %broadcast_in_dim3A_8 : vector<16xf32> to vector<1x16xf32>
      tpu.vector_store %arg6[%swap3A_114, %swap3A_115], %swap3A_118 {strides = array<i32>} : memref<8x1024xf32, #tpu.memory_space<vmem>>, vector<1x16xf32>,
      %swap3A_119 = arith.index_cast %scan3A_24 : i32 to index
      %swap3A_120 = arith.constant 304 : index
      %swap3A_121 = tpu.vector_load %arg6[%swap3A_119, %swap3A_120] {strides = array<i32>} : memref<8x1024xf32, #tpu.memory_space<vmem>>, vector<1x16xf32>,
      %swap3A_122 = vector.shape_cast %swap3A_121 : vector<1x16xf32> to vector<16xf32>
      %swap3A_123 = vector.shape_cast %broadcast_in_dim3A_8 : vector<16xf32> to vector<1x16xf32>
      tpu.vector_store %arg6[%swap3A_119, %swap3A_120], %swap3A_123 {strides = array<i32>} : memref<8x1024xf32, #tpu.memory_space<vmem>>, vector<1x16xf32>,
      %swap3A_124 = arith.index_cast %scan3A_24 : i32 to index
      %swap3A_125 = arith.constant 320 : index
      %swap3A_126 = tpu.vector_load %arg6[%swap3A_124, %swap3A_125] {strides = array<i32>} : memref<8x1024xf32, #tpu.memory_space<vmem>>, vector<1x16xf32>,
      %swap3A_127 = vector.shape_cast %swap3A_126 : vector<1x16xf32> to vector<16xf32>
      %swap3A_128 = vector.shape_cast %broadcast_in_dim3A_8 : vector<16xf32> to vector<1x16xf32>
      tpu.vector_store %arg6[%swap3A_124, %swap3A_125], %swap3A_128 {strides = array<i32>} : memref<8x1024xf32, #tpu.memory_space<vmem>>, vector<1x16xf32>,
      %swap3A_129 = arith.index_cast %scan3A_24 : i32 to index
      %swap3A_130 = arith.constant 336 : index
      %swap3A_131 = tpu.vector_load %arg6[%swap3A_129, %swap3A_130] {strides = array<i32>} : memref<8x1024xf32, #tpu.memory_space<vmem>>, vector<1x16xf32>,
      %swap3A_132 = vector.shape_cast %swap3A_131 : vector<1x16xf32> to vector<16xf32>
      %swap3A_133 = vector.shape_cast %broadcast_in_dim3A_8 : vector<16xf32> to vector<1x16xf32>
      tpu.vector_store %arg6[%swap3A_129, %swap3A_130], %swap3A_133 {strides = array<i32>} : memref<8x1024xf32, #tpu.memory_space<vmem>>, vector<1x16xf32>,
      %swap3A_134 = arith.index_cast %scan3A_24 : i32 to index
      %swap3A_135 = arith.constant 352 : index
      %swap3A_136 = tpu.vector_load %arg6[%swap3A_134, %swap3A_135] {strides = array<i32>} : memref<8x1024xf32, #tpu.memory_space<vmem>>, vector<1x16xf32>,
      %swap3A_137 = vector.shape_cast %swap3A_136 : vector<1x16xf32> to vector<16xf32>
      %swap3A_138 = vector.shape_cast %broadcast_in_dim3A_8 : vector<16xf32> to vector<1x16xf32>
      tpu.vector_store %arg6[%swap3A_134, %swap3A_135], %swap3A_138 {strides = array<i32>} : memref<8x1024xf32, #tpu.memory_space<vmem>>, vector<1x16xf32>,
      %swap3A_139 = arith.index_cast %scan3A_24 : i32 to index
      %swap3A_140 = arith.constant 368 : index
      %swap3A_141 = tpu.vector_load %arg6[%swap3A_139, %swap3A_140] {strides = array<i32>} : memref<8x1024xf32, #tpu.memory_space<vmem>>, vector<1x16xf32>,
      %swap3A_142 = vector.shape_cast %swap3A_141 : vector<1x16xf32> to vector<16xf32>
      %swap3A_143 = vector.shape_cast %broadcast_in_dim3A_8 : vector<16xf32> to vector<1x16xf32>
      tpu.vector_store %arg6[%swap3A_139, %swap3A_140], %swap3A_143 {strides = array<i32>} : memref<8x1024xf32, #tpu.memory_space<vmem>>, vector<1x16xf32>,
      %swap3A_144 = arith.index_cast %scan3A_24 : i32 to index
      %swap3A_145 = arith.constant 384 : index
      %swap3A_146 = tpu.vector_load %arg6[%swap3A_144, %swap3A_145] {strides = array<i32>} : memref<8x1024xf32, #tpu.memory_space<vmem>>, vector<1x16xf32>,
      %swap3A_147 = vector.shape_cast %swap3A_146 : vector<1x16xf32> to vector<16xf32>
      %swap3A_148 = vector.shape_cast %broadcast_in_dim3A_8 : vector<16xf32> to vector<1x16xf32>
      tpu.vector_store %arg6[%swap3A_144, %swap3A_145], %swap3A_148 {strides = array<i32>} : memref<8x1024xf32, #tpu.memory_space<vmem>>, vector<1x16xf32>,
      %swap3A_149 = arith.index_cast %scan3A_24 : i32 to index
      %swap3A_150 = arith.constant 400 : index
      %swap3A_151 = tpu.vector_load %arg6[%swap3A_149, %swap3A_150] {strides = array<i32>} : memref<8x1024xf32, #tpu.memory_space<vmem>>, vector<1x16xf32>,
      %swap3A_152 = vector.shape_cast %swap3A_151 : vector<1x16xf32> to vector<16xf32>
      %swap3A_153 = vector.shape_cast %broadcast_in_dim3A_8 : vector<16xf32> to vector<1x16xf32>
      tpu.vector_store %arg6[%swap3A_149, %swap3A_150], %swap3A_153 {strides = array<i32>} : memref<8x1024xf32, #tpu.memory_space<vmem>>, vector<1x16xf32>,
      %swap3A_154 = arith.index_cast %scan3A_24 : i32 to index
      %swap3A_155 = arith.constant 416 : index
      %swap3A_156 = tpu.vector_load %arg6[%swap3A_154, %swap3A_155] {strides = array<i32>} : memref<8x1024xf32, #tpu.memory_space<vmem>>, vector<1x16xf32>,
      %swap3A_157 = vector.shape_cast %swap3A_156 : vector<1x16xf32> to vector<16xf32>
      %swap3A_158 = vector.shape_cast %broadcast_in_dim3A_8 : vector<16xf32> to vector<1x16xf32>
      tpu.vector_store %arg6[%swap3A_154, %swap3A_155], %swap3A_158 {strides = array<i32>} : memref<8x1024xf32, #tpu.memory_space<vmem>>, vector<1x16xf32>,
      %swap3A_159 = arith.index_cast %scan3A_24 : i32 to index
      %swap3A_160 = arith.constant 432 : index
      %swap3A_161 = tpu.vector_load %arg6[%swap3A_159, %swap3A_160] {strides = array<i32>} : memref<8x1024xf32, #tpu.memory_space<vmem>>, vector<1x16xf32>,
      %swap3A_162 = vector.shape_cast %swap3A_161 : vector<1x16xf32> to vector<16xf32>
      %swap3A_163 = vector.shape_cast %broadcast_in_dim3A_8 : vector<16xf32> to vector<1x16xf32>
      tpu.vector_store %arg6[%swap3A_159, %swap3A_160], %swap3A_163 {strides = array<i32>} : memref<8x1024xf32, #tpu.memory_space<vmem>>, vector<1x16xf32>,
      %swap3A_164 = arith.index_cast %scan3A_24 : i32 to index
      %swap3A_165 = arith.constant 448 : index
      %swap3A_166 = tpu.vector_load %arg6[%swap3A_164, %swap3A_165] {strides = array<i32>} : memref<8x1024xf32, #tpu.memory_space<vmem>>, vector<1x16xf32>,
      %swap3A_167 = vector.shape_cast %swap3A_166 : vector<1x16xf32> to vector<16xf32>
      %swap3A_168 = vector.shape_cast %broadcast_in_dim3A_8 : vector<16xf32> to vector<1x16xf32>
      tpu.vector_store %arg6[%swap3A_164, %swap3A_165], %swap3A_168 {strides = array<i32>} : memref<8x1024xf32, #tpu.memory_space<vmem>>, vector<1x16xf32>,
      %swap3A_169 = arith.index_cast %scan3A_24 : i32 to index
      %swap3A_170 = arith.constant 464 : index
      %swap3A_171 = tpu.vector_load %arg6[%swap3A_169, %swap3A_170] {strides = array<i32>} : memref<8x1024xf32, #tpu.memory_space<vmem>>, vector<1x16xf32>,
      %swap3A_172 = vector.shape_cast %swap3A_171 : vector<1x16xf32> to vector<16xf32>
      %swap3A_173 = vector.shape_cast %broadcast_in_dim3A_8 : vector<16xf32> to vector<1x16xf32>
      tpu.vector_store %arg6[%swap3A_169, %swap3A_170], %swap3A_173 {strides = array<i32>} : memref<8x1024xf32, #tpu.memory_space<vmem>>, vector<1x16xf32>,
      %swap3A_174 = arith.index_cast %scan3A_24 : i32 to index
      %swap3A_175 = arith.constant 480 : index
      %swap3A_176 = tpu.vector_load %arg6[%swap3A_174, %swap3A_175] {strides = array<i32>} : memref<8x1024xf32, #tpu.memory_space<vmem>>, vector<1x16xf32>,
      %swap3A_177 = vector.shape_cast %swap3A_176 : vector<1x16xf32> to vector<16xf32>
      %swap3A_178 = vector.shape_cast %broadcast_in_dim3A_8 : vector<16xf32> to vector<1x16xf32>
      tpu.vector_store %arg6[%swap3A_174, %swap3A_175], %swap3A_178 {strides = array<i32>} : memref<8x1024xf32, #tpu.memory_space<vmem>>, vector<1x16xf32>,
      %swap3A_179 = arith.index_cast %scan3A_24 : i32 to index
      %swap3A_180 = arith.constant 496 : index
      %swap3A_181 = tpu.vector_load %arg6[%swap3A_179, %swap3A_180] {strides = array<i32>} : memref<8x1024xf32, #tpu.memory_space<vmem>>, vector<1x16xf32>,
      %swap3A_182 = vector.shape_cast %swap3A_181 : vector<1x16xf32> to vector<16xf32>
      %swap3A_183 = vector.shape_cast %broadcast_in_dim3A_8 : vector<16xf32> to vector<1x16xf32>
      tpu.vector_store %arg6[%swap3A_179, %swap3A_180], %swap3A_183 {strides = array<i32>} : memref<8x1024xf32, #tpu.memory_space<vmem>>, vector<1x16xf32>,
      %swap3A_184 = arith.index_cast %scan3A_24 : i32 to index
      %swap3A_185 = arith.constant 512 : index
      %swap3A_186 = tpu.vector_load %arg6[%swap3A_184, %swap3A_185] {strides = array<i32>} : memref<8x1024xf32, #tpu.memory_space<vmem>>, vector<1x16xf32>,
      %swap3A_187 = vector.shape_cast %swap3A_186 : vector<1x16xf32> to vector<16xf32>
      %swap3A_188 = vector.shape_cast %broadcast_in_dim3A_8 : vector<16xf32> to vector<1x16xf32>
      tpu.vector_store %arg6[%swap3A_184, %swap3A_185], %swap3A_188 {strides = array<i32>} : memref<8x1024xf32, #tpu.memory_space<vmem>>, vector<1x16xf32>,
      %swap3A_189 = arith.index_cast %scan3A_24 : i32 to index
      %swap3A_190 = arith.constant 528 : index
      %swap3A_191 = tpu.vector_load %arg6[%swap3A_189, %swap3A_190] {strides = array<i32>} : memref<8x1024xf32, #tpu.memory_space<vmem>>, vector<1x16xf32>,
      %swap3A_192 = vector.shape_cast %swap3A_191 : vector<1x16xf32> to vector<16xf32>
      %swap3A_193 = vector.shape_cast %broadcast_in_dim3A_8 : vector<16xf32> to vector<1x16xf32>
      tpu.vector_store %arg6[%swap3A_189, %swap3A_190], %swap3A_193 {strides = array<i32>} : memref<8x1024xf32, #tpu.memory_space<vmem>>, vector<1x16xf32>,
      %swap3A_194 = arith.index_cast %scan3A_24 : i32 to index
      %swap3A_195 = arith.constant 544 : index
      %swap3A_196 = tpu.vector_load %arg6[%swap3A_194, %swap3A_195] {strides = array<i32>} : memref<8x1024xf32, #tpu.memory_space<vmem>>, vector<1x16xf32>,
      %swap3A_197 = vector.shape_cast %swap3A_196 : vector<1x16xf32> to vector<16xf32>
      %swap3A_198 = vector.shape_cast %broadcast_in_dim3A_8 : vector<16xf32> to vector<1x16xf32>
      tpu.vector_store %arg6[%swap3A_194, %swap3A_195], %swap3A_198 {strides = array<i32>} : memref<8x1024xf32, #tpu.memory_space<vmem>>, vector<1x16xf32>,
      %swap3A_199 = arith.index_cast %scan3A_24 : i32 to index
      %swap3A_200 = arith.constant 560 : index
      %swap3A_201 = tpu.vector_load %arg6[%swap3A_199, %swap3A_200] {strides = array<i32>} : memref<8x1024xf32, #tpu.memory_space<vmem>>, vector<1x16xf32>,
      %swap3A_202 = vector.shape_cast %swap3A_201 : vector<1x16xf32> to vector<16xf32>
      %swap3A_203 = vector.shape_cast %broadcast_in_dim3A_8 : vector<16xf32> to vector<1x16xf32>
      tpu.vector_store %arg6[%swap3A_199, %swap3A_200], %swap3A_203 {strides = array<i32>} : memref<8x1024xf32, #tpu.memory_space<vmem>>, vector<1x16xf32>,
      %swap3A_204 = arith.index_cast %scan3A_24 : i32 to index
      %swap3A_205 = arith.constant 576 : index
      %swap3A_206 = tpu.vector_load %arg6[%swap3A_204, %swap3A_205] {strides = array<i32>} : memref<8x1024xf32, #tpu.memory_space<vmem>>, vector<1x16xf32>,
      %swap3A_207 = vector.shape_cast %swap3A_206 : vector<1x16xf32> to vector<16xf32>
      %swap3A_208 = vector.shape_cast %broadcast_in_dim3A_8 : vector<16xf32> to vector<1x16xf32>
      tpu.vector_store %arg6[%swap3A_204, %swap3A_205], %swap3A_208 {strides = array<i32>} : memref<8x1024xf32, #tpu.memory_space<vmem>>, vector<1x16xf32>,
      %swap3A_209 = arith.index_cast %scan3A_24 : i32 to index
      %swap3A_210 = arith.constant 592 : index
      %swap3A_211 = tpu.vector_load %arg6[%swap3A_209, %swap3A_210] {strides = array<i32>} : memref<8x1024xf32, #tpu.memory_space<vmem>>, vector<1x16xf32>,
      %swap3A_212 = vector.shape_cast %swap3A_211 : vector<1x16xf32> to vector<16xf32>
      %swap3A_213 = vector.shape_cast %broadcast_in_dim3A_8 : vector<16xf32> to vector<1x16xf32>
      tpu.vector_store %arg6[%swap3A_209, %swap3A_210], %swap3A_213 {strides = array<i32>} : memref<8x1024xf32, #tpu.memory_space<vmem>>, vector<1x16xf32>,
      %swap3A_214 = arith.index_cast %scan3A_24 : i32 to index
      %swap3A_215 = arith.constant 608 : index
      %swap3A_216 = tpu.vector_load %arg6[%swap3A_214, %swap3A_215] {strides = array<i32>} : memref<8x1024xf32, #tpu.memory_space<vmem>>, vector<1x16xf32>,
      %swap3A_217 = vector.shape_cast %swap3A_216 : vector<1x16xf32> to vector<16xf32>
      %swap3A_218 = vector.shape_cast %broadcast_in_dim3A_8 : vector<16xf32> to vector<1x16xf32>
      tpu.vector_store %arg6[%swap3A_214, %swap3A_215], %swap3A_218 {strides = array<i32>} : memref<8x1024xf32, #tpu.memory_space<vmem>>, vector<1x16xf32>,
      %swap3A_219 = arith.index_cast %scan3A_24 : i32 to index
      %swap3A_220 = arith.constant 624 : index
      %swap3A_221 = tpu.vector_load %arg6[%swap3A_219, %swap3A_220] {strides = array<i32>} : memref<8x1024xf32, #tpu.memory_space<vmem>>, vector<1x16xf32>,
      %swap3A_222 = vector.shape_cast %swap3A_221 : vector<1x16xf32> to vector<16xf32>
      %swap3A_223 = vector.shape_cast %broadcast_in_dim3A_8 : vector<16xf32> to vector<1x16xf32>
      tpu.vector_store %arg6[%swap3A_219, %swap3A_220], %swap3A_223 {strides = array<i32>} : memref<8x1024xf32, #tpu.memory_space<vmem>>, vector<1x16xf32>,
      %swap3A_224 = arith.index_cast %scan3A_24 : i32 to index
      %swap3A_225 = arith.constant 640 : index
      %swap3A_226 = tpu.vector_load %arg6[%swap3A_224, %swap3A_225] {strides = array<i32>} : memref<8x1024xf32, #tpu.memory_space<vmem>>, vector<1x16xf32>,
      %swap3A_227 = vector.shape_cast %swap3A_226 : vector<1x16xf32> to vector<16xf32>
      %swap3A_228 = vector.shape_cast %broadcast_in_dim3A_8 : vector<16xf32> to vector<1x16xf32>
      tpu.vector_store %arg6[%swap3A_224, %swap3A_225], %swap3A_228 {strides = array<i32>} : memref<8x1024xf32, #tpu.memory_space<vmem>>, vector<1x16xf32>,
      %swap3A_229 = arith.index_cast %scan3A_24 : i32 to index
      %swap3A_230 = arith.constant 656 : index
      %swap3A_231 = tpu.vector_load %arg6[%swap3A_229, %swap3A_230] {strides = array<i32>} : memref<8x1024xf32, #tpu.memory_space<vmem>>, vector<1x16xf32>,
      %swap3A_232 = vector.shape_cast %swap3A_231 : vector<1x16xf32> to vector<16xf32>
      %swap3A_233 = vector.shape_cast %broadcast_in_dim3A_8 : vector<16xf32> to vector<1x16xf32>
      tpu.vector_store %arg6[%swap3A_229, %swap3A_230], %swap3A_233 {strides = array<i32>} : memref<8x1024xf32, #tpu.memory_space<vmem>>, vector<1x16xf32>,
      %swap3A_234 = arith.index_cast %scan3A_24 : i32 to index
      %swap3A_235 = arith.constant 672 : index
      %swap3A_236 = tpu.vector_load %arg6[%swap3A_234, %swap3A_235] {strides = array<i32>} : memref<8x1024xf32, #tpu.memory_space<vmem>>, vector<1x16xf32>,
      %swap3A_237 = vector.shape_cast %swap3A_236 : vector<1x16xf32> to vector<16xf32>
      %swap3A_238 = vector.shape_cast %broadcast_in_dim3A_8 : vector<16xf32> to vector<1x16xf32>
      tpu.vector_store %arg6[%swap3A_234, %swap3A_235], %swap3A_238 {strides = array<i32>} : memref<8x1024xf32, #tpu.memory_space<vmem>>, vector<1x16xf32>,
      %swap3A_239 = arith.index_cast %scan3A_24 : i32 to index
      %swap3A_240 = arith.constant 688 : index
      %swap3A_241 = tpu.vector_load %arg6[%swap3A_239, %swap3A_240] {strides = array<i32>} : memref<8x1024xf32, #tpu.memory_space<vmem>>, vector<1x16xf32>,
      %swap3A_242 = vector.shape_cast %swap3A_241 : vector<1x16xf32> to vector<16xf32>
      %swap3A_243 = vector.shape_cast %broadcast_in_dim3A_8 : vector<16xf32> to vector<1x16xf32>
      tpu.vector_store %arg6[%swap3A_239, %swap3A_240], %swap3A_243 {strides = array<i32>} : memref<8x1024xf32, #tpu.memory_space<vmem>>, vector<1x16xf32>,
      %swap3A_244 = arith.index_cast %scan3A_24 : i32 to index
      %swap3A_245 = arith.constant 704 : index
      %swap3A_246 = tpu.vector_load %arg6[%swap3A_244, %swap3A_245] {strides = array<i32>} : memref<8x1024xf32, #tpu.memory_space<vmem>>, vector<1x16xf32>,
      %swap3A_247 = vector.shape_cast %swap3A_246 : vector<1x16xf32> to vector<16xf32>
      %swap3A_248 = vector.shape_cast %broadcast_in_dim3A_8 : vector<16xf32> to vector<1x16xf32>
      tpu.vector_store %arg6[%swap3A_244, %swap3A_245], %swap3A_248 {strides = array<i32>} : memref<8x1024xf32, #tpu.memory_space<vmem>>, vector<1x16xf32>,
      %swap3A_249 = arith.index_cast %scan3A_24 : i32 to index
      %swap3A_250 = arith.constant 720 : index
      %swap3A_251 = tpu.vector_load %arg6[%swap3A_249, %swap3A_250] {strides = array<i32>} : memref<8x1024xf32, #tpu.memory_space<vmem>>, vector<1x16xf32>,
      %swap3A_252 = vector.shape_cast %swap3A_251 : vector<1x16xf32> to vector<16xf32>
      %swap3A_253 = vector.shape_cast %broadcast_in_dim3A_8 : vector<16xf32> to vector<1x16xf32>
      tpu.vector_store %arg6[%swap3A_249, %swap3A_250], %swap3A_253 {strides = array<i32>} : memref<8x1024xf32, #tpu.memory_space<vmem>>, vector<1x16xf32>,
      %swap3A_254 = arith.index_cast %scan3A_24 : i32 to index
      %swap3A_255 = arith.constant 736 : index
      %swap3A_256 = tpu.vector_load %arg6[%swap3A_254, %swap3A_255] {strides = array<i32>} : memref<8x1024xf32, #tpu.memory_space<vmem>>, vector<1x16xf32>,
      %swap3A_257 = vector.shape_cast %swap3A_256 : vector<1x16xf32> to vector<16xf32>
      %swap3A_258 = vector.shape_cast %broadcast_in_dim3A_8 : vector<16xf32> to vector<1x16xf32>
      tpu.vector_store %arg6[%swap3A_254, %swap3A_255], %swap3A_258 {strides = array<i32>} : memref<8x1024xf32, #tpu.memory_space<vmem>>, vector<1x16xf32>,
      %swap3A_259 = arith.index_cast %scan3A_24 : i32 to index
      %swap3A_260 = arith.constant 752 : index
      %swap3A_261 = tpu.vector_load %arg6[%swap3A_259, %swap3A_260] {strides = array<i32>} : memref<8x1024xf32, #tpu.memory_space<vmem>>, vector<1x16xf32>,
      %swap3A_262 = vector.shape_cast %swap3A_261 : vector<1x16xf32> to vector<16xf32>
      %swap3A_263 = vector.shape_cast %broadcast_in_dim3A_8 : vector<16xf32> to vector<1x16xf32>
      tpu.vector_store %arg6[%swap3A_259, %swap3A_260], %swap3A_263 {strides = array<i32>} : memref<8x1024xf32, #tpu.memory_space<vmem>>, vector<1x16xf32>,
      %swap3A_264 = arith.index_cast %scan3A_24 : i32 to index
      %swap3A_265 = arith.constant 768 : index
      %swap3A_266 = tpu.vector_load %arg6[%swap3A_264, %swap3A_265] {strides = array<i32>} : memref<8x1024xf32, #tpu.memory_space<vmem>>, vector<1x16xf32>,
      %swap3A_267 = vector.shape_cast %swap3A_266 : vector<1x16xf32> to vector<16xf32>
      %swap3A_268 = vector.shape_cast %broadcast_in_dim3A_8 : vector<16xf32> to vector<1x16xf32>
      tpu.vector_store %arg6[%swap3A_264, %swap3A_265], %swap3A_268 {strides = array<i32>} : memref<8x1024xf32, #tpu.memory_space<vmem>>, vector<1x16xf32>,
      %swap3A_269 = arith.index_cast %scan3A_24 : i32 to index
      %swap3A_270 = arith.constant 784 : index
      %swap3A_271 = tpu.vector_load %arg6[%swap3A_269, %swap3A_270] {strides = array<i32>} : memref<8x1024xf32, #tpu.memory_space<vmem>>, vector<1x16xf32>,
      %swap3A_272 = vector.shape_cast %swap3A_271 : vector<1x16xf32> to vector<16xf32>
      %swap3A_273 = vector.shape_cast %broadcast_in_dim3A_8 : vector<16xf32> to vector<1x16xf32>
      tpu.vector_store %arg6[%swap3A_269, %swap3A_270], %swap3A_273 {strides = array<i32>} : memref<8x1024xf32, #tpu.memory_space<vmem>>, vector<1x16xf32>,
      %swap3A_274 = arith.index_cast %scan3A_24 : i32 to index
      %swap3A_275 = arith.constant 800 : index
      %swap3A_276 = tpu.vector_load %arg6[%swap3A_274, %swap3A_275] {strides = array<i32>} : memref<8x1024xf32, #tpu.memory_space<vmem>>, vector<1x16xf32>,
      %swap3A_277 = vector.shape_cast %swap3A_276 : vector<1x16xf32> to vector<16xf32>
      %swap3A_278 = vector.shape_cast %broadcast_in_dim3A_8 : vector<16xf32> to vector<1x16xf32>
      tpu.vector_store %arg6[%swap3A_274, %swap3A_275], %swap3A_278 {strides = array<i32>} : memref<8x1024xf32, #tpu.memory_space<vmem>>, vector<1x16xf32>,
      %swap3A_279 = arith.index_cast %scan3A_24 : i32 to index
      %swap3A_280 = arith.constant 816 : index
      %swap3A_281 = tpu.vector_load %arg6[%swap3A_279, %swap3A_280] {strides = array<i32>} : memref<8x1024xf32, #tpu.memory_space<vmem>>, vector<1x16xf32>,
      %swap3A_282 = vector.shape_cast %swap3A_281 : vector<1x16xf32> to vector<16xf32>
      %swap3A_283 = vector.shape_cast %broadcast_in_dim3A_8 : vector<16xf32> to vector<1x16xf32>
      tpu.vector_store %arg6[%swap3A_279, %swap3A_280], %swap3A_283 {strides = array<i32>} : memref<8x1024xf32, #tpu.memory_space<vmem>>, vector<1x16xf32>,
      %swap3A_284 = arith.index_cast %scan3A_24 : i32 to index
      %swap3A_285 = arith.constant 832 : index
      %swap3A_286 = tpu.vector_load %arg6[%swap3A_284, %swap3A_285] {strides = array<i32>} : memref<8x1024xf32, #tpu.memory_space<vmem>>, vector<1x16xf32>,
      %swap3A_287 = vector.shape_cast %swap3A_286 : vector<1x16xf32> to vector<16xf32>
      %swap3A_288 = vector.shape_cast %broadcast_in_dim3A_8 : vector<16xf32> to vector<1x16xf32>
      tpu.vector_store %arg6[%swap3A_284, %swap3A_285], %swap3A_288 {strides = array<i32>} : memref<8x1024xf32, #tpu.memory_space<vmem>>, vector<1x16xf32>,
      %swap3A_289 = arith.index_cast %scan3A_24 : i32 to index
      %swap3A_290 = arith.constant 848 : index
      %swap3A_291 = tpu.vector_load %arg6[%swap3A_289, %swap3A_290] {strides = array<i32>} : memref<8x1024xf32, #tpu.memory_space<vmem>>, vector<1x16xf32>,
      %swap3A_292 = vector.shape_cast %swap3A_291 : vector<1x16xf32> to vector<16xf32>
      %swap3A_293 = vector.shape_cast %broadcast_in_dim3A_8 : vector<16xf32> to vector<1x16xf32>
      tpu.vector_store %arg6[%swap3A_289, %swap3A_290], %swap3A_293 {strides = array<i32>} : memref<8x1024xf32, #tpu.memory_space<vmem>>, vector<1x16xf32>,
      %swap3A_294 = arith.index_cast %scan3A_24 : i32 to index
      %swap3A_295 = arith.constant 864 : index
      %swap3A_296 = tpu.vector_load %arg6[%swap3A_294, %swap3A_295] {strides = array<i32>} : memref<8x1024xf32, #tpu.memory_space<vmem>>, vector<1x16xf32>,
      %swap3A_297 = vector.shape_cast %swap3A_296 : vector<1x16xf32> to vector<16xf32>
      %swap3A_298 = vector.shape_cast %broadcast_in_dim3A_8 : vector<16xf32> to vector<1x16xf32>
      tpu.vector_store %arg6[%swap3A_294, %swap3A_295], %swap3A_298 {strides = array<i32>} : memref<8x1024xf32, #tpu.memory_space<vmem>>, vector<1x16xf32>,
      %swap3A_299 = arith.index_cast %scan3A_24 : i32 to index
      %swap3A_300 = arith.constant 880 : index
      %swap3A_301 = tpu.vector_load %arg6[%swap3A_299, %swap3A_300] {strides = array<i32>} : memref<8x1024xf32, #tpu.memory_space<vmem>>, vector<1x16xf32>,
      %swap3A_302 = vector.shape_cast %swap3A_301 : vector<1x16xf32> to vector<16xf32>
      %swap3A_303 = vector.shape_cast %broadcast_in_dim3A_8 : vector<16xf32> to vector<1x16xf32>
      tpu.vector_store %arg6[%swap3A_299, %swap3A_300], %swap3A_303 {strides = array<i32>} : memref<8x1024xf32, #tpu.memory_space<vmem>>, vector<1x16xf32>,
      %swap3A_304 = arith.index_cast %scan3A_24 : i32 to index
      %swap3A_305 = arith.constant 896 : index
      %swap3A_306 = tpu.vector_load %arg6[%swap3A_304, %swap3A_305] {strides = array<i32>} : memref<8x1024xf32, #tpu.memory_space<vmem>>, vector<1x16xf32>,
      %swap3A_307 = vector.shape_cast %swap3A_306 : vector<1x16xf32> to vector<16xf32>
      %swap3A_308 = vector.shape_cast %broadcast_in_dim3A_8 : vector<16xf32> to vector<1x16xf32>
      tpu.vector_store %arg6[%swap3A_304, %swap3A_305], %swap3A_308 {strides = array<i32>} : memref<8x1024xf32, #tpu.memory_space<vmem>>, vector<1x16xf32>,
      %swap3A_309 = arith.index_cast %scan3A_24 : i32 to index
      %swap3A_310 = arith.constant 912 : index
      %swap3A_311 = tpu.vector_load %arg6[%swap3A_309, %swap3A_310] {strides = array<i32>} : memref<8x1024xf32, #tpu.memory_space<vmem>>, vector<1x16xf32>,
      %swap3A_312 = vector.shape_cast %swap3A_311 : vector<1x16xf32> to vector<16xf32>
      %swap3A_313 = vector.shape_cast %broadcast_in_dim3A_8 : vector<16xf32> to vector<1x16xf32>
      tpu.vector_store %arg6[%swap3A_309, %swap3A_310], %swap3A_313 {strides = array<i32>} : memref<8x1024xf32, #tpu.memory_space<vmem>>, vector<1x16xf32>,
      %swap3A_314 = arith.index_cast %scan3A_24 : i32 to index
      %swap3A_315 = arith.constant 928 : index
      %swap3A_316 = tpu.vector_load %arg6[%swap3A_314, %swap3A_315] {strides = array<i32>} : memref<8x1024xf32, #tpu.memory_space<vmem>>, vector<1x16xf32>,
      %swap3A_317 = vector.shape_cast %swap3A_316 : vector<1x16xf32> to vector<16xf32>
      %swap3A_318 = vector.shape_cast %broadcast_in_dim3A_8 : vector<16xf32> to vector<1x16xf32>
      tpu.vector_store %arg6[%swap3A_314, %swap3A_315], %swap3A_318 {strides = array<i32>} : memref<8x1024xf32, #tpu.memory_space<vmem>>, vector<1x16xf32>,
      %swap3A_319 = arith.index_cast %scan3A_24 : i32 to index
      %swap3A_320 = arith.constant 944 : index
      %swap3A_321 = tpu.vector_load %arg6[%swap3A_319, %swap3A_320] {strides = array<i32>} : memref<8x1024xf32, #tpu.memory_space<vmem>>, vector<1x16xf32>,
      %swap3A_322 = vector.shape_cast %swap3A_321 : vector<1x16xf32> to vector<16xf32>
      %swap3A_323 = vector.shape_cast %broadcast_in_dim3A_8 : vector<16xf32> to vector<1x16xf32>
      tpu.vector_store %arg6[%swap3A_319, %swap3A_320], %swap3A_323 {strides = array<i32>} : memref<8x1024xf32, #tpu.memory_space<vmem>>, vector<1x16xf32>,
      %swap3A_324 = arith.index_cast %scan3A_24 : i32 to index
      %swap3A_325 = arith.constant 960 : index
      %swap3A_326 = tpu.vector_load %arg6[%swap3A_324, %swap3A_325] {strides = array<i32>} : memref<8x1024xf32, #tpu.memory_space<vmem>>, vector<1x16xf32>,
      %swap3A_327 = vector.shape_cast %swap3A_326 : vector<1x16xf32> to vector<16xf32>
      %swap3A_328 = vector.shape_cast %broadcast_in_dim3A_8 : vector<16xf32> to vector<1x16xf32>
      tpu.vector_store %arg6[%swap3A_324, %swap3A_325], %swap3A_328 {strides = array<i32>} : memref<8x1024xf32, #tpu.memory_space<vmem>>, vector<1x16xf32>,
      %swap3A_329 = arith.index_cast %scan3A_24 : i32 to index
      %swap3A_330 = arith.constant 976 : index
      %swap3A_331 = tpu.vector_load %arg6[%swap3A_329, %swap3A_330] {strides = array<i32>} : memref<8x1024xf32, #tpu.memory_space<vmem>>, vector<1x16xf32>,
      %swap3A_332 = vector.shape_cast %swap3A_331 : vector<1x16xf32> to vector<16xf32>
      %swap3A_333 = vector.shape_cast %broadcast_in_dim3A_8 : vector<16xf32> to vector<1x16xf32>
      tpu.vector_store %arg6[%swap3A_329, %swap3A_330], %swap3A_333 {strides = array<i32>} : memref<8x1024xf32, #tpu.memory_space<vmem>>, vector<1x16xf32>,
      %swap3A_334 = arith.index_cast %scan3A_24 : i32 to index
      %swap3A_335 = arith.constant 992 : index
      %swap3A_336 = tpu.vector_load %arg6[%swap3A_334, %swap3A_335] {strides = array<i32>} : memref<8x1024xf32, #tpu.memory_space<vmem>>, vector<1x16xf32>,
      %swap3A_337 = vector.shape_cast %swap3A_336 : vector<1x16xf32> to vector<16xf32>
      %swap3A_338 = vector.shape_cast %broadcast_in_dim3A_8 : vector<16xf32> to vector<1x16xf32>
      tpu.vector_store %arg6[%swap3A_334, %swap3A_335], %swap3A_338 {strides = array<i32>} : memref<8x1024xf32, #tpu.memory_space<vmem>>, vector<1x16xf32>,
      %swap3A_339 = arith.index_cast %scan3A_24 : i32 to index
      %swap3A_340 = arith.constant 1008 : index
      %swap3A_341 = tpu.vector_load %arg6[%swap3A_339, %swap3A_340] {strides = array<i32>} : memref<8x1024xf32, #tpu.memory_space<vmem>>, vector<1x16xf32>,
      %swap3A_342 = vector.shape_cast %swap3A_341 : vector<1x16xf32> to vector<16xf32>
      %swap3A_343 = vector.shape_cast %broadcast_in_dim3A_8 : vector<16xf32> to vector<1x16xf32>
      tpu.vector_store %arg6[%swap3A_339, %swap3A_340], %swap3A_343 {strides = array<i32>} : memref<8x1024xf32, #tpu.memory_space<vmem>>, vector<1x16xf32>,
    }
    %scan3A_13 = arith.constant 8 : i32
    %mul3A_14 = arith.constant 128 : i32
    %mul3A_15 = arith.muli %arg0, %mul3A_14 : i32
    %mul3A_16 = arith.constant 8 : i32
    %mul3A_17 = arith.muli %arg1, %mul3A_16 : i32
    %add3A_18 = arith.addi %mul3A_15, %mul3A_17 : i32
    "tpu.region"() ({
      %run_scoped3A_24 = tpu.sem_alloc : memref<!tpu.dma_semaphore, #tpu.memory_space<semaphore_mem>>
      %dma_start3A_25 = arith.constant 0 : i32
      %dma_start3A_26 = tpu.memref_slice %arg4[%add3A_18, %dma_start3A_25] : memref<256x1024xf32, #tpu.memory_space<hbm>> -> memref<8x1024xf32, #tpu.memory_space<hbm>>
      %dma_start3A_27 = arith.constant 0 : i32
      %dma_start3A_28 = tpu.memref_slice %arg4[%add3A_18, %dma_start3A_27] : memref<256x1024xf32, #tpu.memory_space<hbm>> -> memref<8x1024xf32, #tpu.memory_space<hbm>>
      tpu.enqueue_dma source(%arg6 : memref<8x1024xf32, #tpu.memory_space<vmem>>) target(%dma_start3A_28 : memref<8x1024xf32, #tpu.memory_space<hbm>>) target_semaphore(%run_scoped3A_24 : memref<!tpu.dma_semaphore, #tpu.memory_space<semaphore_mem>>)
      %dma_wait3A_29 = arith.constant 0 : i32
      %dma_wait3A_30 = tpu.memref_slice %arg4[%add3A_18, %dma_wait3A_29] : memref<256x1024xf32, #tpu.memory_space<hbm>> -> memref<8x1024xf32, #tpu.memory_space<hbm>>
      %dma_wait3A_31 = arith.constant 0 : i32
      %dma_wait3A_32 = tpu.memref_slice %arg4[%add3A_18, %dma_wait3A_31] : memref<256x1024xf32, #tpu.memory_space<hbm>> -> memref<8x1024xf32, #tpu.memory_space<hbm>>
      tpu.wait_dma2 semaphore(%run_scoped3A_24 : memref<!tpu.dma_semaphore, #tpu.memory_space<semaphore_mem>>) src(%arg6 : memref<8x1024xf32, #tpu.memory_space<vmem>>) dst(%dma_wait3A_32 : memref<8x1024xf32, #tpu.memory_space<hbm>>)
      tpu.yield
    }) : () -> ()
    %barrier3A = arith.constant 0 : index
    tpu.barrier barrier_id(%barrier3A)
    %add3A_19 = arith.constant 0 : i32
    %add3A_20 = arith.addi %mul3A_2, %add3A_19 : i32
    %dma_wait3A = arith.constant 0 : i32
    %dma_wait3A_21 = tpu.memref_slice %arg2[%add3A_20, %dma_wait3A] : memref<8192x1024xf32, #tpu.memory_space<hbm>> -> memref<32x1024xf32, #tpu.memory_space<hbm>>
    %dma_wait3A_22 = arith.constant 0 : i32
    %dma_wait3A_23 = tpu.memref_slice %arg2[%add3A_20, %dma_wait3A_22] : memref<8192x1024xf32, #tpu.memory_space<hbm>> -> memref<32x1024xf32, #tpu.memory_space<hbm>>
    tpu.wait_dma2 semaphore(%arg9 : memref<!tpu.dma_semaphore, #tpu.memory_space<semaphore_mem>>) src(%dma_wait3A_23 : memref<32x1024xf32, #tpu.memory_space<hbm>>) dst(%arg7 : memref<32x1024xf32, #tpu.memory_space<vmem>>)
    %run_scoped3A = arith.constant 0 : i32
    "tpu.region"() ({
      %run_scoped3A_24 = tpu.sem_alloc : memref<!tpu.dma_semaphore, #tpu.memory_space<semaphore_mem>>
      %dma_start3A_25 = arith.constant 0 : i32
      %dma_start3A_26 = tpu.memref_slice %arg5[%run_scoped3A, %dma_start3A_25] : memref<1x32xi32, #tpu.memory_space<vmem>> -> memref<1x32xi32, #tpu.memory_space<vmem>>
      %dma_start3A_27 = tpu.memref_squeeze %dma_start3A_26 : memref<1x32xi32, #tpu.memory_space<vmem>> -> memref<32xi32, #tpu.memory_space<vmem>>
      %dma_start3A_28 = arith.constant 0 : i32
      %dma_start3A_29 = arith.constant 0 : i32
      %dma_start3A_30 = tpu.memref_slice %arg4[%dma_start3A_28, %dma_start3A_29] : memref<256x1024xf32, #tpu.memory_space<hbm>> -> memref<256x1024xf32, #tpu.memory_space<hbm>>
      tpu.enqueue_indirect_dma source(%arg7 : memref<32x1024xf32, #tpu.memory_space<vmem>>) target(%dma_start3A_30 : memref<256x1024xf32, #tpu.memory_space<hbm>>) offsets(%dma_start3A_27 : memref<32xi32, #tpu.memory_space<vmem>>) semaphore(%run_scoped3A_24 : memref<!tpu.dma_semaphore, #tpu.memory_space<semaphore_mem>>) {add = true}
      %dma_wait3A_31 = arith.constant 0 : i32
      %dma_wait3A_32 = tpu.memref_slice %arg5[%run_scoped3A, %dma_wait3A_31] : memref<1x32xi32, #tpu.memory_space<vmem>> -> memref<1x32xi32, #tpu.memory_space<vmem>>
      %dma_wait3A_33 = tpu.memref_squeeze %dma_wait3A_32 : memref<1x32xi32, #tpu.memory_space<vmem>> -> memref<32xi32, #tpu.memory_space<vmem>>
      %dma_wait3A_34 = arith.constant 0 : i32
      %dma_wait3A_35 = arith.constant 0 : i32
      %dma_wait3A_36 = tpu.memref_slice %arg4[%dma_wait3A_34, %dma_wait3A_35] : memref<256x1024xf32, #tpu.memory_space<hbm>> -> memref<256x1024xf32, #tpu.memory_space<hbm>>
      tpu.wait_indirect_dma semaphore(%run_scoped3A_24 : memref<!tpu.dma_semaphore, #tpu.memory_space<semaphore_mem>>) src(%arg7 : memref<32x1024xf32, #tpu.memory_space<vmem>>) dst(%dma_wait3A_36 : memref<256x1024xf32, #tpu.memory_space<hbm>>)
      tpu.yield
    }) : () -> ()
    return
  }
}

module attributes {stable_mosaic.version = 14 : i64} {
  func.func @_epilogue_body(%arg0: memref<2x128x1024xf32, #tpu.memory_space<vmem>>, %arg1: memref<128x1024xf32, #tpu.memory_space<vmem>>, %arg2: memref<8x1024xi32, #tpu.memory_space<vmem>>, %arg3: memref<128x1024xf32, #tpu.memory_space<vmem>>, %arg4: memref<1x128xf32, #tpu.memory_space<vmem>>, %arg5: memref<128x128xf32, #tpu.memory_space<vmem>>, %arg6: memref<1x1xf32, #tpu.memory_space<vmem>>, %arg7: memref<1x1xf32, #tpu.memory_space<vmem>>) attributes {dimension_semantics = [], scalar_prefetch = 0 : i64, scratch_operands = 0 : i64, tpu.core_type = #tpu.core_type<tc>} {
    %get3A = arith.constant 0 : index
    %get3A_0 = arith.constant 0 : index
    %get3A_1 = arith.constant 0 : index
    %get3A_2 = vector.load %arg0[%get3A, %get3A_0, %get3A_1] : memref<2x128x1024xf32, #tpu.memory_space<vmem>>, vector<1x128x1024xf32>
    %get3A_3 = vector.shape_cast %get3A_2 : vector<1x128x1024xf32> to vector<128x1024xf32>
    %get3A_4 = arith.constant 1 : index
    %get3A_5 = arith.constant 0 : index
    %get3A_6 = arith.constant 0 : index
    %get3A_7 = vector.load %arg0[%get3A_4, %get3A_5, %get3A_6] : memref<2x128x1024xf32, #tpu.memory_space<vmem>>, vector<1x128x1024xf32>
    %get3A_8 = vector.shape_cast %get3A_7 : vector<1x128x1024xf32> to vector<128x1024xf32>
    %add3A = arith.addf %get3A_3, %get3A_8 : vector<128x1024xf32>
    %get3A_9 = arith.constant 0 : index
    %get3A_10 = arith.constant 0 : index
    %get3A_11 = vector.load %arg1[%get3A_9, %get3A_10] : memref<128x1024xf32, #tpu.memory_space<vmem>>, vector<128x1024xf32>
    %add3A_12 = arith.addf %add3A, %get3A_11 : vector<128x1024xf32>
    %get3A_13 = arith.constant 0 : index
    %get3A_14 = arith.constant 0 : index
    %get3A_15 = vector.load %arg6[%get3A_13, %get3A_14] : memref<1x1xf32, #tpu.memory_space<vmem>>, vector<1x1xf32>
    %get3A_16 = vector.extract %get3A_15[0, 0] : f32 from vector<1x1xf32>
    %iota3A = tpu.iota {dimensions = array<i32: 0>} : vector<128x1xi32>
    %broadcast_in_dim3A = arith.constant 0.000000e+00 : f32
    %broadcast_in_dim3A_17 = vector.broadcast %broadcast_in_dim3A : f32 to vector<128x1xf32>
    %get3A_18 = arith.constant 0 : index
    %get3A_19 = arith.constant 0 : index
    %get3A_20 = vector.load %arg2[%get3A_18, %get3A_19] : memref<8x1024xi32, #tpu.memory_space<vmem>>, vector<1x1024xi32>
    %eq3A = vector.broadcast %get3A_20 : vector<1x1024xi32> to vector<128x1024xi32>
    %eq3A_21 = vector.broadcast %iota3A : vector<128x1xi32> to vector<128x1024xi32>
    %eq3A_22 = arith.cmpi eq, %eq3A, %eq3A_21 : vector<128x1024xi32>
    %convert_element_type3A = arith.extui %eq3A_22 : vector<128x1024xi1> to vector<128x1024xi32>
    %convert_element_type3A_23 = arith.sitofp %convert_element_type3A : vector<128x1024xi32> to vector<128x1024xf32>
    %reduce_sum3A = arith.constant dense<0.000000e+00> : vector<128xf32>
    %reduce_sum3A_24 = vector.multi_reduction <add>, %convert_element_type3A_23, %reduce_sum3A [1] : vector<128x1024xf32> to vector<128xf32>
    %broadcast_in_dim3A_25 = vector.shape_cast %reduce_sum3A_24 : vector<128xf32> to vector<128x1xf32>
    %add3A_26 = arith.addf %broadcast_in_dim3A_17, %broadcast_in_dim3A_25 : vector<128x1xf32>
    %get3A_27 = arith.constant 1 : index
    %get3A_28 = arith.constant 0 : index
    %get3A_29 = vector.load %arg2[%get3A_27, %get3A_28] : memref<8x1024xi32, #tpu.memory_space<vmem>>, vector<1x1024xi32>
    %eq3A_30 = vector.broadcast %get3A_29 : vector<1x1024xi32> to vector<128x1024xi32>
    %eq3A_31 = vector.broadcast %iota3A : vector<128x1xi32> to vector<128x1024xi32>
    %eq3A_32 = arith.cmpi eq, %eq3A_30, %eq3A_31 : vector<128x1024xi32>
    %convert_element_type3A_33 = arith.extui %eq3A_32 : vector<128x1024xi1> to vector<128x1024xi32>
    %convert_element_type3A_34 = arith.sitofp %convert_element_type3A_33 : vector<128x1024xi32> to vector<128x1024xf32>
    %reduce_sum3A_35 = arith.constant dense<0.000000e+00> : vector<128xf32>
    %reduce_sum3A_36 = vector.multi_reduction <add>, %convert_element_type3A_34, %reduce_sum3A_35 [1] : vector<128x1024xf32> to vector<128xf32>
    %broadcast_in_dim3A_37 = vector.shape_cast %reduce_sum3A_36 : vector<128xf32> to vector<128x1xf32>
    %add3A_38 = arith.addf %add3A_26, %broadcast_in_dim3A_37 : vector<128x1xf32>
    %get3A_39 = arith.constant 2 : index
    %get3A_40 = arith.constant 0 : index
    %get3A_41 = vector.load %arg2[%get3A_39, %get3A_40] : memref<8x1024xi32, #tpu.memory_space<vmem>>, vector<1x1024xi32>
    %eq3A_42 = vector.broadcast %get3A_41 : vector<1x1024xi32> to vector<128x1024xi32>
    %eq3A_43 = vector.broadcast %iota3A : vector<128x1xi32> to vector<128x1024xi32>
    %eq3A_44 = arith.cmpi eq, %eq3A_42, %eq3A_43 : vector<128x1024xi32>
    %convert_element_type3A_45 = arith.extui %eq3A_44 : vector<128x1024xi1> to vector<128x1024xi32>
    %convert_element_type3A_46 = arith.sitofp %convert_element_type3A_45 : vector<128x1024xi32> to vector<128x1024xf32>
    %reduce_sum3A_47 = arith.constant dense<0.000000e+00> : vector<128xf32>
    %reduce_sum3A_48 = vector.multi_reduction <add>, %convert_element_type3A_46, %reduce_sum3A_47 [1] : vector<128x1024xf32> to vector<128xf32>
    %broadcast_in_dim3A_49 = vector.shape_cast %reduce_sum3A_48 : vector<128xf32> to vector<128x1xf32>
    %add3A_50 = arith.addf %add3A_38, %broadcast_in_dim3A_49 : vector<128x1xf32>
    %get3A_51 = arith.constant 3 : index
    %get3A_52 = arith.constant 0 : index
    %get3A_53 = vector.load %arg2[%get3A_51, %get3A_52] : memref<8x1024xi32, #tpu.memory_space<vmem>>, vector<1x1024xi32>
    %eq3A_54 = vector.broadcast %get3A_53 : vector<1x1024xi32> to vector<128x1024xi32>
    %eq3A_55 = vector.broadcast %iota3A : vector<128x1xi32> to vector<128x1024xi32>
    %eq3A_56 = arith.cmpi eq, %eq3A_54, %eq3A_55 : vector<128x1024xi32>
    %convert_element_type3A_57 = arith.extui %eq3A_56 : vector<128x1024xi1> to vector<128x1024xi32>
    %convert_element_type3A_58 = arith.sitofp %convert_element_type3A_57 : vector<128x1024xi32> to vector<128x1024xf32>
    %reduce_sum3A_59 = arith.constant dense<0.000000e+00> : vector<128xf32>
    %reduce_sum3A_60 = vector.multi_reduction <add>, %convert_element_type3A_58, %reduce_sum3A_59 [1] : vector<128x1024xf32> to vector<128xf32>
    %broadcast_in_dim3A_61 = vector.shape_cast %reduce_sum3A_60 : vector<128xf32> to vector<128x1xf32>
    %add3A_62 = arith.addf %add3A_50, %broadcast_in_dim3A_61 : vector<128x1xf32>
    %get3A_63 = arith.constant 4 : index
    %get3A_64 = arith.constant 0 : index
    %get3A_65 = vector.load %arg2[%get3A_63, %get3A_64] : memref<8x1024xi32, #tpu.memory_space<vmem>>, vector<1x1024xi32>
    %eq3A_66 = vector.broadcast %get3A_65 : vector<1x1024xi32> to vector<128x1024xi32>
    %eq3A_67 = vector.broadcast %iota3A : vector<128x1xi32> to vector<128x1024xi32>
    %eq3A_68 = arith.cmpi eq, %eq3A_66, %eq3A_67 : vector<128x1024xi32>
    %convert_element_type3A_69 = arith.extui %eq3A_68 : vector<128x1024xi1> to vector<128x1024xi32>
    %convert_element_type3A_70 = arith.sitofp %convert_element_type3A_69 : vector<128x1024xi32> to vector<128x1024xf32>
    %reduce_sum3A_71 = arith.constant dense<0.000000e+00> : vector<128xf32>
    %reduce_sum3A_72 = vector.multi_reduction <add>, %convert_element_type3A_70, %reduce_sum3A_71 [1] : vector<128x1024xf32> to vector<128xf32>
    %broadcast_in_dim3A_73 = vector.shape_cast %reduce_sum3A_72 : vector<128xf32> to vector<128x1xf32>
    %add3A_74 = arith.addf %add3A_62, %broadcast_in_dim3A_73 : vector<128x1xf32>
    %get3A_75 = arith.constant 5 : index
    %get3A_76 = arith.constant 0 : index
    %get3A_77 = vector.load %arg2[%get3A_75, %get3A_76] : memref<8x1024xi32, #tpu.memory_space<vmem>>, vector<1x1024xi32>
    %eq3A_78 = vector.broadcast %get3A_77 : vector<1x1024xi32> to vector<128x1024xi32>
    %eq3A_79 = vector.broadcast %iota3A : vector<128x1xi32> to vector<128x1024xi32>
    %eq3A_80 = arith.cmpi eq, %eq3A_78, %eq3A_79 : vector<128x1024xi32>
    %convert_element_type3A_81 = arith.extui %eq3A_80 : vector<128x1024xi1> to vector<128x1024xi32>
    %convert_element_type3A_82 = arith.sitofp %convert_element_type3A_81 : vector<128x1024xi32> to vector<128x1024xf32>
    %reduce_sum3A_83 = arith.constant dense<0.000000e+00> : vector<128xf32>
    %reduce_sum3A_84 = vector.multi_reduction <add>, %convert_element_type3A_82, %reduce_sum3A_83 [1] : vector<128x1024xf32> to vector<128xf32>
    %broadcast_in_dim3A_85 = vector.shape_cast %reduce_sum3A_84 : vector<128xf32> to vector<128x1xf32>
    %add3A_86 = arith.addf %add3A_74, %broadcast_in_dim3A_85 : vector<128x1xf32>
    %get3A_87 = arith.constant 6 : index
    %get3A_88 = arith.constant 0 : index
    %get3A_89 = vector.load %arg2[%get3A_87, %get3A_88] : memref<8x1024xi32, #tpu.memory_space<vmem>>, vector<1x1024xi32>
    %eq3A_90 = vector.broadcast %get3A_89 : vector<1x1024xi32> to vector<128x1024xi32>
    %eq3A_91 = vector.broadcast %iota3A : vector<128x1xi32> to vector<128x1024xi32>
    %eq3A_92 = arith.cmpi eq, %eq3A_90, %eq3A_91 : vector<128x1024xi32>
    %convert_element_type3A_93 = arith.extui %eq3A_92 : vector<128x1024xi1> to vector<128x1024xi32>
    %convert_element_type3A_94 = arith.sitofp %convert_element_type3A_93 : vector<128x1024xi32> to vector<128x1024xf32>
    %reduce_sum3A_95 = arith.constant dense<0.000000e+00> : vector<128xf32>
    %reduce_sum3A_96 = vector.multi_reduction <add>, %convert_element_type3A_94, %reduce_sum3A_95 [1] : vector<128x1024xf32> to vector<128xf32>
    %broadcast_in_dim3A_97 = vector.shape_cast %reduce_sum3A_96 : vector<128xf32> to vector<128x1xf32>
    %add3A_98 = arith.addf %add3A_86, %broadcast_in_dim3A_97 : vector<128x1xf32>
    %get3A_99 = arith.constant 7 : index
    %get3A_100 = arith.constant 0 : index
    %get3A_101 = vector.load %arg2[%get3A_99, %get3A_100] : memref<8x1024xi32, #tpu.memory_space<vmem>>, vector<1x1024xi32>
    %eq3A_102 = vector.broadcast %get3A_101 : vector<1x1024xi32> to vector<128x1024xi32>
    %eq3A_103 = vector.broadcast %iota3A : vector<128x1xi32> to vector<128x1024xi32>
    %eq3A_104 = arith.cmpi eq, %eq3A_102, %eq3A_103 : vector<128x1024xi32>
    %convert_element_type3A_105 = arith.extui %eq3A_104 : vector<128x1024xi1> to vector<128x1024xi32>
    %convert_element_type3A_106 = arith.sitofp %convert_element_type3A_105 : vector<128x1024xi32> to vector<128x1024xf32>
    %reduce_sum3A_107 = arith.constant dense<0.000000e+00> : vector<128xf32>
    %reduce_sum3A_108 = vector.multi_reduction <add>, %convert_element_type3A_106, %reduce_sum3A_107 [1] : vector<128x1024xf32> to vector<128xf32>
    %broadcast_in_dim3A_109 = vector.shape_cast %reduce_sum3A_108 : vector<128xf32> to vector<128x1xf32>
    %add3A_110 = arith.addf %add3A_98, %broadcast_in_dim3A_109 : vector<128x1xf32>
    %get3A_111 = arith.constant 0 : index
    %get3A_112 = arith.constant 0 : index
    %get3A_113 = vector.load %arg3[%get3A_111, %get3A_112] : memref<128x1024xf32, #tpu.memory_space<vmem>>, vector<128x1024xf32>
    %dot_general3A = arith.constant dense<0.000000e+00> : vector<128x128xf32>
    %dot_general3A_114 = tpu.matmul %add3A_12, %get3A_113, %dot_general3A {dimension_numbers = #tpu.dot_dimension_numbers<[1], [1], [0], [0], [0, 0, 1, 0], [], []>, precision = #tpu.contract_precision<fp32>, transpose_lhs_hint = false} : vector<128x1024xf32>, vector<128x1024xf32>, vector<128x128xf32> -> vector<128x128xf32>
    %get3A_115 = arith.constant 0 : index
    %get3A_116 = arith.constant 0 : index
    %get3A_117 = vector.load %arg4[%get3A_115, %get3A_116] : memref<1x128xf32, #tpu.memory_space<vmem>>, vector<1x128xf32>
    %mul3A = vector.broadcast %add3A_110 : vector<128x1xf32> to vector<128x128xf32>
    %mul3A_118 = vector.broadcast %get3A_117 : vector<1x128xf32> to vector<128x128xf32>
    %mul3A_119 = arith.mulf %mul3A, %mul3A_118 : vector<128x128xf32>
    %add3A_120 = arith.addf %dot_general3A_114, %mul3A_119 : vector<128x128xf32>
    %max3A = arith.constant 1.000000e+00 : f32
    %max3A_121 = vector.broadcast %max3A : f32 to vector<128x1xf32>
    %max3A_122 = arith.maximumf %add3A_110, %max3A_121 : vector<128x1xf32>
    %div3A = vector.broadcast %max3A_122 : vector<128x1xf32> to vector<128x128xf32>
    %div3A_123 = arith.divf %add3A_120, %div3A : vector<128x128xf32>
    %mul3A_124 = arith.mulf %div3A_123, %div3A_123 : vector<128x128xf32>
    %reduce_sum3A_125 = arith.constant dense<0.000000e+00> : vector<128xf32>
    %reduce_sum3A_126 = vector.multi_reduction <add>, %mul3A_124, %reduce_sum3A_125 [1] : vector<128x128xf32> to vector<128xf32>
    %broadcast_in_dim3A_127 = vector.shape_cast %reduce_sum3A_126 : vector<128xf32> to vector<128x1xf32>
    %sqrt3A = math.sqrt %broadcast_in_dim3A_127 : vector<128x1xf32>
    %max3A_128 = arith.constant 9.99999993E-9 : f32
    %max3A_129 = vector.broadcast %max3A_128 : f32 to vector<128x1xf32>
    %max3A_130 = arith.maximumf %sqrt3A, %max3A_129 : vector<128x1xf32>
    %div3A_131 = vector.broadcast %max3A_130 : vector<128x1xf32> to vector<128x128xf32>
    %div3A_132 = arith.divf %div3A_123, %div3A_131 : vector<128x128xf32>
    %get3A_133 = arith.constant 0 : index
    %get3A_134 = arith.constant 0 : index
    %get3A_135 = vector.load %arg5[%get3A_133, %get3A_134] : memref<128x128xf32, #tpu.memory_space<vmem>>, vector<128x128xf32>
    %mul3A_136 = arith.mulf %get3A_135, %get3A_135 : vector<128x128xf32>
    %reduce_sum3A_137 = arith.constant dense<0.000000e+00> : vector<128xf32>
    %reduce_sum3A_138 = vector.multi_reduction <add>, %mul3A_136, %reduce_sum3A_137 [1] : vector<128x128xf32> to vector<128xf32>
    %broadcast_in_dim3A_139 = vector.shape_cast %reduce_sum3A_138 : vector<128xf32> to vector<128x1xf32>
    %sqrt3A_140 = math.sqrt %broadcast_in_dim3A_139 : vector<128x1xf32>
    %max3A_141 = arith.constant 9.99999993E-9 : f32
    %max3A_142 = vector.broadcast %max3A_141 : f32 to vector<128x1xf32>
    %max3A_143 = arith.maximumf %sqrt3A_140, %max3A_142 : vector<128x1xf32>
    %div3A_144 = vector.broadcast %max3A_143 : vector<128x1xf32> to vector<128x128xf32>
    %div3A_145 = arith.divf %get3A_135, %div3A_144 : vector<128x128xf32>
    %dot_general3A_146 = arith.constant dense<0.000000e+00> : vector<128x128xf32>
    %dot_general3A_147 = tpu.matmul %div3A_145, %div3A_132, %dot_general3A_146 {dimension_numbers = #tpu.dot_dimension_numbers<[1], [1], [0], [0], [0, 0, 1, 0], [], []>, precision = #tpu.contract_precision<fp32>, transpose_lhs_hint = false} : vector<128x128xf32>, vector<128x128xf32>, vector<128x128xf32> -> vector<128x128xf32>
    %sub3A = arith.constant 1.000000e+00 : f32
    %sub3A_148 = vector.broadcast %sub3A : f32 to vector<128x128xf32>
    %sub3A_149 = arith.subf %sub3A_148, %dot_general3A_147 : vector<128x128xf32>
    %neg3A = arith.constant 0.000000e+00 : f32
    %neg3A_150 = vector.broadcast %neg3A : f32 to vector<128x128xf32>
    %neg3A_151 = arith.subf %neg3A_150, %sub3A_149 : vector<128x128xf32>
    %div3A_152 = vector.broadcast %get3A_16 : f32 to vector<128x128xf32>
    %div3A_153 = arith.divf %neg3A_151, %div3A_152 : vector<128x128xf32>
    %dot_general3A_154 = arith.constant dense<0.000000e+00> : vector<128x128xf32>
    %dot_general3A_155 = tpu.matmul %div3A_145, %div3A_145, %dot_general3A_154 {dimension_numbers = #tpu.dot_dimension_numbers<[1], [1], [0], [0], [0, 0, 1, 0], [], []>, precision = #tpu.contract_precision<fp32>, transpose_lhs_hint = false} : vector<128x128xf32>, vector<128x128xf32>, vector<128x128xf32> -> vector<128x128xf32>
    %broadcast_in_dim3A_156 = arith.constant 0.000000e+00 : f32
    %broadcast_in_dim3A_157 = vector.broadcast %broadcast_in_dim3A_156 : f32 to vector<128x128xf32>
    %broadcast_in_dim3A_158 = vector.shape_cast %dot_general3A_155 : vector<128x128xf32> to vector<1x128x128xf32>
    %iota3A_159 = tpu.iota {dimensions = array<i32: 1>} : vector<8x128x128xi32>
    %slice3A = vector.extract_strided_slice %dot_general3A_155 {offsets = [0, 0], sizes = [8, 128], strides = [1, 1]} : vector<128x128xf32> to vector<8x128xf32>
    %broadcast_in_dim3A_160 = vector.shape_cast %slice3A : vector<8x128xf32> to vector<8x1x128xf32>
    %iota3A_161 = tpu.iota {dimensions = array<i32: 0>} : vector<8x128x128xi32>
    %add3A_162 = arith.constant 0 : i32
    %add3A_163 = vector.broadcast %add3A_162 : i32 to vector<8x128x128xi32>
    %add3A_164 = arith.addi %add3A_163, %iota3A_161 : vector<8x128x128xi32>
    %gt3A = vector.broadcast %broadcast_in_dim3A_160 : vector<8x1x128xf32> to vector<8x128x128xf32>
    %gt3A_165 = vector.broadcast %broadcast_in_dim3A_158 : vector<1x128x128xf32> to vector<8x128x128xf32>
    %gt3A_166 = arith.cmpf ogt, %gt3A, %gt3A_165 : vector<8x128x128xf32>
    %convert_element_type3A_167 = arith.extui %gt3A_166 : vector<8x128x128xi1> to vector<8x128x128xi32>
    %convert_element_type3A_168 = arith.sitofp %convert_element_type3A_167 : vector<8x128x128xi32> to vector<8x128x128xf32>
    %eq3A_169 = vector.broadcast %broadcast_in_dim3A_160 : vector<8x1x128xf32> to vector<8x128x128xf32>
    %eq3A_170 = vector.broadcast %broadcast_in_dim3A_158 : vector<1x128x128xf32> to vector<8x128x128xf32>
    %eq3A_171 = arith.cmpf oeq, %eq3A_169, %eq3A_170 : vector<8x128x128xf32>
    %lt3A = arith.cmpi slt, %add3A_164, %iota3A_159 : vector<8x128x128xi32>
    %and3A = arith.andi %eq3A_171, %lt3A : vector<8x128x128xi1>
    %jit3A = arith.constant 1.000000e+00 : f32
    %jit3A_172 = arith.constant 0.000000e+00 : f32
    %broadcast_in_dim3A_173 = vector.broadcast %jit3A : f32 to vector<8x128x128xf32>
    %broadcast_in_dim3A_174 = vector.broadcast %jit3A_172 : f32 to vector<8x128x128xf32>
    %select_n3A = arith.select %and3A, %broadcast_in_dim3A_173, %broadcast_in_dim3A_174 : vector<8x128x128xi1>, vector<8x128x128xf32>
    %add3A_175 = arith.addf %convert_element_type3A_168, %select_n3A : vector<8x128x128xf32>
    %reduce_sum3A_176 = arith.constant dense<0.000000e+00> : vector<128x128xf32>
    %reduce_sum3A_177 = vector.multi_reduction <add>, %add3A_175, %reduce_sum3A_176 [0] : vector<8x128x128xf32> to vector<128x128xf32>
    %add3A_178 = arith.addf %broadcast_in_dim3A_157, %reduce_sum3A_177 : vector<128x128xf32>
    %slice3A_179 = vector.extract_strided_slice %dot_general3A_155 {offsets = [8, 0], sizes = [8, 128], strides = [1, 1]} : vector<128x128xf32> to vector<8x128xf32>
    %broadcast_in_dim3A_180 = vector.shape_cast %slice3A_179 : vector<8x128xf32> to vector<8x1x128xf32>
    %iota3A_181 = tpu.iota {dimensions = array<i32: 0>} : vector<8x128x128xi32>
    %add3A_182 = arith.constant 8 : i32
    %add3A_183 = vector.broadcast %add3A_182 : i32 to vector<8x128x128xi32>
    %add3A_184 = arith.addi %add3A_183, %iota3A_181 : vector<8x128x128xi32>
    %gt3A_185 = vector.broadcast %broadcast_in_dim3A_180 : vector<8x1x128xf32> to vector<8x128x128xf32>
    %gt3A_186 = vector.broadcast %broadcast_in_dim3A_158 : vector<1x128x128xf32> to vector<8x128x128xf32>
    %gt3A_187 = arith.cmpf ogt, %gt3A_185, %gt3A_186 : vector<8x128x128xf32>
    %convert_element_type3A_188 = arith.extui %gt3A_187 : vector<8x128x128xi1> to vector<8x128x128xi32>
    %convert_element_type3A_189 = arith.sitofp %convert_element_type3A_188 : vector<8x128x128xi32> to vector<8x128x128xf32>
    %eq3A_190 = vector.broadcast %broadcast_in_dim3A_180 : vector<8x1x128xf32> to vector<8x128x128xf32>
    %eq3A_191 = vector.broadcast %broadcast_in_dim3A_158 : vector<1x128x128xf32> to vector<8x128x128xf32>
    %eq3A_192 = arith.cmpf oeq, %eq3A_190, %eq3A_191 : vector<8x128x128xf32>
    %lt3A_193 = arith.cmpi slt, %add3A_184, %iota3A_159 : vector<8x128x128xi32>
    %and3A_194 = arith.andi %eq3A_192, %lt3A_193 : vector<8x128x128xi1>
    %jit3A_195 = arith.constant 1.000000e+00 : f32
    %jit3A_196 = arith.constant 0.000000e+00 : f32
    %broadcast_in_dim3A_197 = vector.broadcast %jit3A_195 : f32 to vector<8x128x128xf32>
    %broadcast_in_dim3A_198 = vector.broadcast %jit3A_196 : f32 to vector<8x128x128xf32>
    %select_n3A_199 = arith.select %and3A_194, %broadcast_in_dim3A_197, %broadcast_in_dim3A_198 : vector<8x128x128xi1>, vector<8x128x128xf32>
    %add3A_200 = arith.addf %convert_element_type3A_189, %select_n3A_199 : vector<8x128x128xf32>
    %reduce_sum3A_201 = arith.constant dense<0.000000e+00> : vector<128x128xf32>
    %reduce_sum3A_202 = vector.multi_reduction <add>, %add3A_200, %reduce_sum3A_201 [0] : vector<8x128x128xf32> to vector<128x128xf32>
    %add3A_203 = arith.addf %add3A_178, %reduce_sum3A_202 : vector<128x128xf32>
    %slice3A_204 = vector.extract_strided_slice %dot_general3A_155 {offsets = [16, 0], sizes = [8, 128], strides = [1, 1]} : vector<128x128xf32> to vector<8x128xf32>
    %broadcast_in_dim3A_205 = vector.shape_cast %slice3A_204 : vector<8x128xf32> to vector<8x1x128xf32>
    %iota3A_206 = tpu.iota {dimensions = array<i32: 0>} : vector<8x128x128xi32>
    %add3A_207 = arith.constant 16 : i32
    %add3A_208 = vector.broadcast %add3A_207 : i32 to vector<8x128x128xi32>
    %add3A_209 = arith.addi %add3A_208, %iota3A_206 : vector<8x128x128xi32>
    %gt3A_210 = vector.broadcast %broadcast_in_dim3A_205 : vector<8x1x128xf32> to vector<8x128x128xf32>
    %gt3A_211 = vector.broadcast %broadcast_in_dim3A_158 : vector<1x128x128xf32> to vector<8x128x128xf32>
    %gt3A_212 = arith.cmpf ogt, %gt3A_210, %gt3A_211 : vector<8x128x128xf32>
    %convert_element_type3A_213 = arith.extui %gt3A_212 : vector<8x128x128xi1> to vector<8x128x128xi32>
    %convert_element_type3A_214 = arith.sitofp %convert_element_type3A_213 : vector<8x128x128xi32> to vector<8x128x128xf32>
    %eq3A_215 = vector.broadcast %broadcast_in_dim3A_205 : vector<8x1x128xf32> to vector<8x128x128xf32>
    %eq3A_216 = vector.broadcast %broadcast_in_dim3A_158 : vector<1x128x128xf32> to vector<8x128x128xf32>
    %eq3A_217 = arith.cmpf oeq, %eq3A_215, %eq3A_216 : vector<8x128x128xf32>
    %lt3A_218 = arith.cmpi slt, %add3A_209, %iota3A_159 : vector<8x128x128xi32>
    %and3A_219 = arith.andi %eq3A_217, %lt3A_218 : vector<8x128x128xi1>
    %jit3A_220 = arith.constant 1.000000e+00 : f32
    %jit3A_221 = arith.constant 0.000000e+00 : f32
    %broadcast_in_dim3A_222 = vector.broadcast %jit3A_220 : f32 to vector<8x128x128xf32>
    %broadcast_in_dim3A_223 = vector.broadcast %jit3A_221 : f32 to vector<8x128x128xf32>
    %select_n3A_224 = arith.select %and3A_219, %broadcast_in_dim3A_222, %broadcast_in_dim3A_223 : vector<8x128x128xi1>, vector<8x128x128xf32>
    %add3A_225 = arith.addf %convert_element_type3A_214, %select_n3A_224 : vector<8x128x128xf32>
    %reduce_sum3A_226 = arith.constant dense<0.000000e+00> : vector<128x128xf32>
    %reduce_sum3A_227 = vector.multi_reduction <add>, %add3A_225, %reduce_sum3A_226 [0] : vector<8x128x128xf32> to vector<128x128xf32>
    %add3A_228 = arith.addf %add3A_203, %reduce_sum3A_227 : vector<128x128xf32>
    %slice3A_229 = vector.extract_strided_slice %dot_general3A_155 {offsets = [24, 0], sizes = [8, 128], strides = [1, 1]} : vector<128x128xf32> to vector<8x128xf32>
    %broadcast_in_dim3A_230 = vector.shape_cast %slice3A_229 : vector<8x128xf32> to vector<8x1x128xf32>
    %iota3A_231 = tpu.iota {dimensions = array<i32: 0>} : vector<8x128x128xi32>
    %add3A_232 = arith.constant 24 : i32
    %add3A_233 = vector.broadcast %add3A_232 : i32 to vector<8x128x128xi32>
    %add3A_234 = arith.addi %add3A_233, %iota3A_231 : vector<8x128x128xi32>
    %gt3A_235 = vector.broadcast %broadcast_in_dim3A_230 : vector<8x1x128xf32> to vector<8x128x128xf32>
    %gt3A_236 = vector.broadcast %broadcast_in_dim3A_158 : vector<1x128x128xf32> to vector<8x128x128xf32>
    %gt3A_237 = arith.cmpf ogt, %gt3A_235, %gt3A_236 : vector<8x128x128xf32>
    %convert_element_type3A_238 = arith.extui %gt3A_237 : vector<8x128x128xi1> to vector<8x128x128xi32>
    %convert_element_type3A_239 = arith.sitofp %convert_element_type3A_238 : vector<8x128x128xi32> to vector<8x128x128xf32>
    %eq3A_240 = vector.broadcast %broadcast_in_dim3A_230 : vector<8x1x128xf32> to vector<8x128x128xf32>
    %eq3A_241 = vector.broadcast %broadcast_in_dim3A_158 : vector<1x128x128xf32> to vector<8x128x128xf32>
    %eq3A_242 = arith.cmpf oeq, %eq3A_240, %eq3A_241 : vector<8x128x128xf32>
    %lt3A_243 = arith.cmpi slt, %add3A_234, %iota3A_159 : vector<8x128x128xi32>
    %and3A_244 = arith.andi %eq3A_242, %lt3A_243 : vector<8x128x128xi1>
    %jit3A_245 = arith.constant 1.000000e+00 : f32
    %jit3A_246 = arith.constant 0.000000e+00 : f32
    %broadcast_in_dim3A_247 = vector.broadcast %jit3A_245 : f32 to vector<8x128x128xf32>
    %broadcast_in_dim3A_248 = vector.broadcast %jit3A_246 : f32 to vector<8x128x128xf32>
    %select_n3A_249 = arith.select %and3A_244, %broadcast_in_dim3A_247, %broadcast_in_dim3A_248 : vector<8x128x128xi1>, vector<8x128x128xf32>
    %add3A_250 = arith.addf %convert_element_type3A_239, %select_n3A_249 : vector<8x128x128xf32>
    %reduce_sum3A_251 = arith.constant dense<0.000000e+00> : vector<128x128xf32>
    %reduce_sum3A_252 = vector.multi_reduction <add>, %add3A_250, %reduce_sum3A_251 [0] : vector<8x128x128xf32> to vector<128x128xf32>
    %add3A_253 = arith.addf %add3A_228, %reduce_sum3A_252 : vector<128x128xf32>
    %slice3A_254 = vector.extract_strided_slice %dot_general3A_155 {offsets = [32, 0], sizes = [8, 128], strides = [1, 1]} : vector<128x128xf32> to vector<8x128xf32>
    %broadcast_in_dim3A_255 = vector.shape_cast %slice3A_254 : vector<8x128xf32> to vector<8x1x128xf32>
    %iota3A_256 = tpu.iota {dimensions = array<i32: 0>} : vector<8x128x128xi32>
    %add3A_257 = arith.constant 32 : i32
    %add3A_258 = vector.broadcast %add3A_257 : i32 to vector<8x128x128xi32>
    %add3A_259 = arith.addi %add3A_258, %iota3A_256 : vector<8x128x128xi32>
    %gt3A_260 = vector.broadcast %broadcast_in_dim3A_255 : vector<8x1x128xf32> to vector<8x128x128xf32>
    %gt3A_261 = vector.broadcast %broadcast_in_dim3A_158 : vector<1x128x128xf32> to vector<8x128x128xf32>
    %gt3A_262 = arith.cmpf ogt, %gt3A_260, %gt3A_261 : vector<8x128x128xf32>
    %convert_element_type3A_263 = arith.extui %gt3A_262 : vector<8x128x128xi1> to vector<8x128x128xi32>
    %convert_element_type3A_264 = arith.sitofp %convert_element_type3A_263 : vector<8x128x128xi32> to vector<8x128x128xf32>
    %eq3A_265 = vector.broadcast %broadcast_in_dim3A_255 : vector<8x1x128xf32> to vector<8x128x128xf32>
    %eq3A_266 = vector.broadcast %broadcast_in_dim3A_158 : vector<1x128x128xf32> to vector<8x128x128xf32>
    %eq3A_267 = arith.cmpf oeq, %eq3A_265, %eq3A_266 : vector<8x128x128xf32>
    %lt3A_268 = arith.cmpi slt, %add3A_259, %iota3A_159 : vector<8x128x128xi32>
    %and3A_269 = arith.andi %eq3A_267, %lt3A_268 : vector<8x128x128xi1>
    %jit3A_270 = arith.constant 1.000000e+00 : f32
    %jit3A_271 = arith.constant 0.000000e+00 : f32
    %broadcast_in_dim3A_272 = vector.broadcast %jit3A_270 : f32 to vector<8x128x128xf32>
    %broadcast_in_dim3A_273 = vector.broadcast %jit3A_271 : f32 to vector<8x128x128xf32>
    %select_n3A_274 = arith.select %and3A_269, %broadcast_in_dim3A_272, %broadcast_in_dim3A_273 : vector<8x128x128xi1>, vector<8x128x128xf32>
    %add3A_275 = arith.addf %convert_element_type3A_264, %select_n3A_274 : vector<8x128x128xf32>
    %reduce_sum3A_276 = arith.constant dense<0.000000e+00> : vector<128x128xf32>
    %reduce_sum3A_277 = vector.multi_reduction <add>, %add3A_275, %reduce_sum3A_276 [0] : vector<8x128x128xf32> to vector<128x128xf32>
    %add3A_278 = arith.addf %add3A_253, %reduce_sum3A_277 : vector<128x128xf32>
    %slice3A_279 = vector.extract_strided_slice %dot_general3A_155 {offsets = [40, 0], sizes = [8, 128], strides = [1, 1]} : vector<128x128xf32> to vector<8x128xf32>
    %broadcast_in_dim3A_280 = vector.shape_cast %slice3A_279 : vector<8x128xf32> to vector<8x1x128xf32>
    %iota3A_281 = tpu.iota {dimensions = array<i32: 0>} : vector<8x128x128xi32>
    %add3A_282 = arith.constant 40 : i32
    %add3A_283 = vector.broadcast %add3A_282 : i32 to vector<8x128x128xi32>
    %add3A_284 = arith.addi %add3A_283, %iota3A_281 : vector<8x128x128xi32>
    %gt3A_285 = vector.broadcast %broadcast_in_dim3A_280 : vector<8x1x128xf32> to vector<8x128x128xf32>
    %gt3A_286 = vector.broadcast %broadcast_in_dim3A_158 : vector<1x128x128xf32> to vector<8x128x128xf32>
    %gt3A_287 = arith.cmpf ogt, %gt3A_285, %gt3A_286 : vector<8x128x128xf32>
    %convert_element_type3A_288 = arith.extui %gt3A_287 : vector<8x128x128xi1> to vector<8x128x128xi32>
    %convert_element_type3A_289 = arith.sitofp %convert_element_type3A_288 : vector<8x128x128xi32> to vector<8x128x128xf32>
    %eq3A_290 = vector.broadcast %broadcast_in_dim3A_280 : vector<8x1x128xf32> to vector<8x128x128xf32>
    %eq3A_291 = vector.broadcast %broadcast_in_dim3A_158 : vector<1x128x128xf32> to vector<8x128x128xf32>
    %eq3A_292 = arith.cmpf oeq, %eq3A_290, %eq3A_291 : vector<8x128x128xf32>
    %lt3A_293 = arith.cmpi slt, %add3A_284, %iota3A_159 : vector<8x128x128xi32>
    %and3A_294 = arith.andi %eq3A_292, %lt3A_293 : vector<8x128x128xi1>
    %jit3A_295 = arith.constant 1.000000e+00 : f32
    %jit3A_296 = arith.constant 0.000000e+00 : f32
    %broadcast_in_dim3A_297 = vector.broadcast %jit3A_295 : f32 to vector<8x128x128xf32>
    %broadcast_in_dim3A_298 = vector.broadcast %jit3A_296 : f32 to vector<8x128x128xf32>
    %select_n3A_299 = arith.select %and3A_294, %broadcast_in_dim3A_297, %broadcast_in_dim3A_298 : vector<8x128x128xi1>, vector<8x128x128xf32>
    %add3A_300 = arith.addf %convert_element_type3A_289, %select_n3A_299 : vector<8x128x128xf32>
    %reduce_sum3A_301 = arith.constant dense<0.000000e+00> : vector<128x128xf32>
    %reduce_sum3A_302 = vector.multi_reduction <add>, %add3A_300, %reduce_sum3A_301 [0] : vector<8x128x128xf32> to vector<128x128xf32>
    %add3A_303 = arith.addf %add3A_278, %reduce_sum3A_302 : vector<128x128xf32>
    %slice3A_304 = vector.extract_strided_slice %dot_general3A_155 {offsets = [48, 0], sizes = [8, 128], strides = [1, 1]} : vector<128x128xf32> to vector<8x128xf32>
    %broadcast_in_dim3A_305 = vector.shape_cast %slice3A_304 : vector<8x128xf32> to vector<8x1x128xf32>
    %iota3A_306 = tpu.iota {dimensions = array<i32: 0>} : vector<8x128x128xi32>
    %add3A_307 = arith.constant 48 : i32
    %add3A_308 = vector.broadcast %add3A_307 : i32 to vector<8x128x128xi32>
    %add3A_309 = arith.addi %add3A_308, %iota3A_306 : vector<8x128x128xi32>
    %gt3A_310 = vector.broadcast %broadcast_in_dim3A_305 : vector<8x1x128xf32> to vector<8x128x128xf32>
    %gt3A_311 = vector.broadcast %broadcast_in_dim3A_158 : vector<1x128x128xf32> to vector<8x128x128xf32>
    %gt3A_312 = arith.cmpf ogt, %gt3A_310, %gt3A_311 : vector<8x128x128xf32>
    %convert_element_type3A_313 = arith.extui %gt3A_312 : vector<8x128x128xi1> to vector<8x128x128xi32>
    %convert_element_type3A_314 = arith.sitofp %convert_element_type3A_313 : vector<8x128x128xi32> to vector<8x128x128xf32>
    %eq3A_315 = vector.broadcast %broadcast_in_dim3A_305 : vector<8x1x128xf32> to vector<8x128x128xf32>
    %eq3A_316 = vector.broadcast %broadcast_in_dim3A_158 : vector<1x128x128xf32> to vector<8x128x128xf32>
    %eq3A_317 = arith.cmpf oeq, %eq3A_315, %eq3A_316 : vector<8x128x128xf32>
    %lt3A_318 = arith.cmpi slt, %add3A_309, %iota3A_159 : vector<8x128x128xi32>
    %and3A_319 = arith.andi %eq3A_317, %lt3A_318 : vector<8x128x128xi1>
    %jit3A_320 = arith.constant 1.000000e+00 : f32
    %jit3A_321 = arith.constant 0.000000e+00 : f32
    %broadcast_in_dim3A_322 = vector.broadcast %jit3A_320 : f32 to vector<8x128x128xf32>
    %broadcast_in_dim3A_323 = vector.broadcast %jit3A_321 : f32 to vector<8x128x128xf32>
    %select_n3A_324 = arith.select %and3A_319, %broadcast_in_dim3A_322, %broadcast_in_dim3A_323 : vector<8x128x128xi1>, vector<8x128x128xf32>
    %add3A_325 = arith.addf %convert_element_type3A_314, %select_n3A_324 : vector<8x128x128xf32>
    %reduce_sum3A_326 = arith.constant dense<0.000000e+00> : vector<128x128xf32>
    %reduce_sum3A_327 = vector.multi_reduction <add>, %add3A_325, %reduce_sum3A_326 [0] : vector<8x128x128xf32> to vector<128x128xf32>
    %add3A_328 = arith.addf %add3A_303, %reduce_sum3A_327 : vector<128x128xf32>
    %slice3A_329 = vector.extract_strided_slice %dot_general3A_155 {offsets = [56, 0], sizes = [8, 128], strides = [1, 1]} : vector<128x128xf32> to vector<8x128xf32>
    %broadcast_in_dim3A_330 = vector.shape_cast %slice3A_329 : vector<8x128xf32> to vector<8x1x128xf32>
    %iota3A_331 = tpu.iota {dimensions = array<i32: 0>} : vector<8x128x128xi32>
    %add3A_332 = arith.constant 56 : i32
    %add3A_333 = vector.broadcast %add3A_332 : i32 to vector<8x128x128xi32>
    %add3A_334 = arith.addi %add3A_333, %iota3A_331 : vector<8x128x128xi32>
    %gt3A_335 = vector.broadcast %broadcast_in_dim3A_330 : vector<8x1x128xf32> to vector<8x128x128xf32>
    %gt3A_336 = vector.broadcast %broadcast_in_dim3A_158 : vector<1x128x128xf32> to vector<8x128x128xf32>
    %gt3A_337 = arith.cmpf ogt, %gt3A_335, %gt3A_336 : vector<8x128x128xf32>
    %convert_element_type3A_338 = arith.extui %gt3A_337 : vector<8x128x128xi1> to vector<8x128x128xi32>
    %convert_element_type3A_339 = arith.sitofp %convert_element_type3A_338 : vector<8x128x128xi32> to vector<8x128x128xf32>
    %eq3A_340 = vector.broadcast %broadcast_in_dim3A_330 : vector<8x1x128xf32> to vector<8x128x128xf32>
    %eq3A_341 = vector.broadcast %broadcast_in_dim3A_158 : vector<1x128x128xf32> to vector<8x128x128xf32>
    %eq3A_342 = arith.cmpf oeq, %eq3A_340, %eq3A_341 : vector<8x128x128xf32>
    %lt3A_343 = arith.cmpi slt, %add3A_334, %iota3A_159 : vector<8x128x128xi32>
    %and3A_344 = arith.andi %eq3A_342, %lt3A_343 : vector<8x128x128xi1>
    %jit3A_345 = arith.constant 1.000000e+00 : f32
    %jit3A_346 = arith.constant 0.000000e+00 : f32
    %broadcast_in_dim3A_347 = vector.broadcast %jit3A_345 : f32 to vector<8x128x128xf32>
    %broadcast_in_dim3A_348 = vector.broadcast %jit3A_346 : f32 to vector<8x128x128xf32>
    %select_n3A_349 = arith.select %and3A_344, %broadcast_in_dim3A_347, %broadcast_in_dim3A_348 : vector<8x128x128xi1>, vector<8x128x128xf32>
    %add3A_350 = arith.addf %convert_element_type3A_339, %select_n3A_349 : vector<8x128x128xf32>
    %reduce_sum3A_351 = arith.constant dense<0.000000e+00> : vector<128x128xf32>
    %reduce_sum3A_352 = vector.multi_reduction <add>, %add3A_350, %reduce_sum3A_351 [0] : vector<8x128x128xf32> to vector<128x128xf32>
    %add3A_353 = arith.addf %add3A_328, %reduce_sum3A_352 : vector<128x128xf32>
    %slice3A_354 = vector.extract_strided_slice %dot_general3A_155 {offsets = [64, 0], sizes = [8, 128], strides = [1, 1]} : vector<128x128xf32> to vector<8x128xf32>
    %broadcast_in_dim3A_355 = vector.shape_cast %slice3A_354 : vector<8x128xf32> to vector<8x1x128xf32>
    %iota3A_356 = tpu.iota {dimensions = array<i32: 0>} : vector<8x128x128xi32>
    %add3A_357 = arith.constant 64 : i32
    %add3A_358 = vector.broadcast %add3A_357 : i32 to vector<8x128x128xi32>
    %add3A_359 = arith.addi %add3A_358, %iota3A_356 : vector<8x128x128xi32>
    %gt3A_360 = vector.broadcast %broadcast_in_dim3A_355 : vector<8x1x128xf32> to vector<8x128x128xf32>
    %gt3A_361 = vector.broadcast %broadcast_in_dim3A_158 : vector<1x128x128xf32> to vector<8x128x128xf32>
    %gt3A_362 = arith.cmpf ogt, %gt3A_360, %gt3A_361 : vector<8x128x128xf32>
    %convert_element_type3A_363 = arith.extui %gt3A_362 : vector<8x128x128xi1> to vector<8x128x128xi32>
    %convert_element_type3A_364 = arith.sitofp %convert_element_type3A_363 : vector<8x128x128xi32> to vector<8x128x128xf32>
    %eq3A_365 = vector.broadcast %broadcast_in_dim3A_355 : vector<8x1x128xf32> to vector<8x128x128xf32>
    %eq3A_366 = vector.broadcast %broadcast_in_dim3A_158 : vector<1x128x128xf32> to vector<8x128x128xf32>
    %eq3A_367 = arith.cmpf oeq, %eq3A_365, %eq3A_366 : vector<8x128x128xf32>
    %lt3A_368 = arith.cmpi slt, %add3A_359, %iota3A_159 : vector<8x128x128xi32>
    %and3A_369 = arith.andi %eq3A_367, %lt3A_368 : vector<8x128x128xi1>
    %jit3A_370 = arith.constant 1.000000e+00 : f32
    %jit3A_371 = arith.constant 0.000000e+00 : f32
    %broadcast_in_dim3A_372 = vector.broadcast %jit3A_370 : f32 to vector<8x128x128xf32>
    %broadcast_in_dim3A_373 = vector.broadcast %jit3A_371 : f32 to vector<8x128x128xf32>
    %select_n3A_374 = arith.select %and3A_369, %broadcast_in_dim3A_372, %broadcast_in_dim3A_373 : vector<8x128x128xi1>, vector<8x128x128xf32>
    %add3A_375 = arith.addf %convert_element_type3A_364, %select_n3A_374 : vector<8x128x128xf32>
    %reduce_sum3A_376 = arith.constant dense<0.000000e+00> : vector<128x128xf32>
    %reduce_sum3A_377 = vector.multi_reduction <add>, %add3A_375, %reduce_sum3A_376 [0] : vector<8x128x128xf32> to vector<128x128xf32>
    %add3A_378 = arith.addf %add3A_353, %reduce_sum3A_377 : vector<128x128xf32>
    %slice3A_379 = vector.extract_strided_slice %dot_general3A_155 {offsets = [72, 0], sizes = [8, 128], strides = [1, 1]} : vector<128x128xf32> to vector<8x128xf32>
    %broadcast_in_dim3A_380 = vector.shape_cast %slice3A_379 : vector<8x128xf32> to vector<8x1x128xf32>
    %iota3A_381 = tpu.iota {dimensions = array<i32: 0>} : vector<8x128x128xi32>
    %add3A_382 = arith.constant 72 : i32
    %add3A_383 = vector.broadcast %add3A_382 : i32 to vector<8x128x128xi32>
    %add3A_384 = arith.addi %add3A_383, %iota3A_381 : vector<8x128x128xi32>
    %gt3A_385 = vector.broadcast %broadcast_in_dim3A_380 : vector<8x1x128xf32> to vector<8x128x128xf32>
    %gt3A_386 = vector.broadcast %broadcast_in_dim3A_158 : vector<1x128x128xf32> to vector<8x128x128xf32>
    %gt3A_387 = arith.cmpf ogt, %gt3A_385, %gt3A_386 : vector<8x128x128xf32>
    %convert_element_type3A_388 = arith.extui %gt3A_387 : vector<8x128x128xi1> to vector<8x128x128xi32>
    %convert_element_type3A_389 = arith.sitofp %convert_element_type3A_388 : vector<8x128x128xi32> to vector<8x128x128xf32>
    %eq3A_390 = vector.broadcast %broadcast_in_dim3A_380 : vector<8x1x128xf32> to vector<8x128x128xf32>
    %eq3A_391 = vector.broadcast %broadcast_in_dim3A_158 : vector<1x128x128xf32> to vector<8x128x128xf32>
    %eq3A_392 = arith.cmpf oeq, %eq3A_390, %eq3A_391 : vector<8x128x128xf32>
    %lt3A_393 = arith.cmpi slt, %add3A_384, %iota3A_159 : vector<8x128x128xi32>
    %and3A_394 = arith.andi %eq3A_392, %lt3A_393 : vector<8x128x128xi1>
    %jit3A_395 = arith.constant 1.000000e+00 : f32
    %jit3A_396 = arith.constant 0.000000e+00 : f32
    %broadcast_in_dim3A_397 = vector.broadcast %jit3A_395 : f32 to vector<8x128x128xf32>
    %broadcast_in_dim3A_398 = vector.broadcast %jit3A_396 : f32 to vector<8x128x128xf32>
    %select_n3A_399 = arith.select %and3A_394, %broadcast_in_dim3A_397, %broadcast_in_dim3A_398 : vector<8x128x128xi1>, vector<8x128x128xf32>
    %add3A_400 = arith.addf %convert_element_type3A_389, %select_n3A_399 : vector<8x128x128xf32>
    %reduce_sum3A_401 = arith.constant dense<0.000000e+00> : vector<128x128xf32>
    %reduce_sum3A_402 = vector.multi_reduction <add>, %add3A_400, %reduce_sum3A_401 [0] : vector<8x128x128xf32> to vector<128x128xf32>
    %add3A_403 = arith.addf %add3A_378, %reduce_sum3A_402 : vector<128x128xf32>
    %slice3A_404 = vector.extract_strided_slice %dot_general3A_155 {offsets = [80, 0], sizes = [8, 128], strides = [1, 1]} : vector<128x128xf32> to vector<8x128xf32>
    %broadcast_in_dim3A_405 = vector.shape_cast %slice3A_404 : vector<8x128xf32> to vector<8x1x128xf32>
    %iota3A_406 = tpu.iota {dimensions = array<i32: 0>} : vector<8x128x128xi32>
    %add3A_407 = arith.constant 80 : i32
    %add3A_408 = vector.broadcast %add3A_407 : i32 to vector<8x128x128xi32>
    %add3A_409 = arith.addi %add3A_408, %iota3A_406 : vector<8x128x128xi32>
    %gt3A_410 = vector.broadcast %broadcast_in_dim3A_405 : vector<8x1x128xf32> to vector<8x128x128xf32>
    %gt3A_411 = vector.broadcast %broadcast_in_dim3A_158 : vector<1x128x128xf32> to vector<8x128x128xf32>
    %gt3A_412 = arith.cmpf ogt, %gt3A_410, %gt3A_411 : vector<8x128x128xf32>
    %convert_element_type3A_413 = arith.extui %gt3A_412 : vector<8x128x128xi1> to vector<8x128x128xi32>
    %convert_element_type3A_414 = arith.sitofp %convert_element_type3A_413 : vector<8x128x128xi32> to vector<8x128x128xf32>
    %eq3A_415 = vector.broadcast %broadcast_in_dim3A_405 : vector<8x1x128xf32> to vector<8x128x128xf32>
    %eq3A_416 = vector.broadcast %broadcast_in_dim3A_158 : vector<1x128x128xf32> to vector<8x128x128xf32>
    %eq3A_417 = arith.cmpf oeq, %eq3A_415, %eq3A_416 : vector<8x128x128xf32>
    %lt3A_418 = arith.cmpi slt, %add3A_409, %iota3A_159 : vector<8x128x128xi32>
    %and3A_419 = arith.andi %eq3A_417, %lt3A_418 : vector<8x128x128xi1>
    %jit3A_420 = arith.constant 1.000000e+00 : f32
    %jit3A_421 = arith.constant 0.000000e+00 : f32
    %broadcast_in_dim3A_422 = vector.broadcast %jit3A_420 : f32 to vector<8x128x128xf32>
    %broadcast_in_dim3A_423 = vector.broadcast %jit3A_421 : f32 to vector<8x128x128xf32>
    %select_n3A_424 = arith.select %and3A_419, %broadcast_in_dim3A_422, %broadcast_in_dim3A_423 : vector<8x128x128xi1>, vector<8x128x128xf32>
    %add3A_425 = arith.addf %convert_element_type3A_414, %select_n3A_424 : vector<8x128x128xf32>
    %reduce_sum3A_426 = arith.constant dense<0.000000e+00> : vector<128x128xf32>
    %reduce_sum3A_427 = vector.multi_reduction <add>, %add3A_425, %reduce_sum3A_426 [0] : vector<8x128x128xf32> to vector<128x128xf32>
    %add3A_428 = arith.addf %add3A_403, %reduce_sum3A_427 : vector<128x128xf32>
    %slice3A_429 = vector.extract_strided_slice %dot_general3A_155 {offsets = [88, 0], sizes = [8, 128], strides = [1, 1]} : vector<128x128xf32> to vector<8x128xf32>
    %broadcast_in_dim3A_430 = vector.shape_cast %slice3A_429 : vector<8x128xf32> to vector<8x1x128xf32>
    %iota3A_431 = tpu.iota {dimensions = array<i32: 0>} : vector<8x128x128xi32>
    %add3A_432 = arith.constant 88 : i32
    %add3A_433 = vector.broadcast %add3A_432 : i32 to vector<8x128x128xi32>
    %add3A_434 = arith.addi %add3A_433, %iota3A_431 : vector<8x128x128xi32>
    %gt3A_435 = vector.broadcast %broadcast_in_dim3A_430 : vector<8x1x128xf32> to vector<8x128x128xf32>
    %gt3A_436 = vector.broadcast %broadcast_in_dim3A_158 : vector<1x128x128xf32> to vector<8x128x128xf32>
    %gt3A_437 = arith.cmpf ogt, %gt3A_435, %gt3A_436 : vector<8x128x128xf32>
    %convert_element_type3A_438 = arith.extui %gt3A_437 : vector<8x128x128xi1> to vector<8x128x128xi32>
    %convert_element_type3A_439 = arith.sitofp %convert_element_type3A_438 : vector<8x128x128xi32> to vector<8x128x128xf32>
    %eq3A_440 = vector.broadcast %broadcast_in_dim3A_430 : vector<8x1x128xf32> to vector<8x128x128xf32>
    %eq3A_441 = vector.broadcast %broadcast_in_dim3A_158 : vector<1x128x128xf32> to vector<8x128x128xf32>
    %eq3A_442 = arith.cmpf oeq, %eq3A_440, %eq3A_441 : vector<8x128x128xf32>
    %lt3A_443 = arith.cmpi slt, %add3A_434, %iota3A_159 : vector<8x128x128xi32>
    %and3A_444 = arith.andi %eq3A_442, %lt3A_443 : vector<8x128x128xi1>
    %jit3A_445 = arith.constant 1.000000e+00 : f32
    %jit3A_446 = arith.constant 0.000000e+00 : f32
    %broadcast_in_dim3A_447 = vector.broadcast %jit3A_445 : f32 to vector<8x128x128xf32>
    %broadcast_in_dim3A_448 = vector.broadcast %jit3A_446 : f32 to vector<8x128x128xf32>
    %select_n3A_449 = arith.select %and3A_444, %broadcast_in_dim3A_447, %broadcast_in_dim3A_448 : vector<8x128x128xi1>, vector<8x128x128xf32>
    %add3A_450 = arith.addf %convert_element_type3A_439, %select_n3A_449 : vector<8x128x128xf32>
    %reduce_sum3A_451 = arith.constant dense<0.000000e+00> : vector<128x128xf32>
    %reduce_sum3A_452 = vector.multi_reduction <add>, %add3A_450, %reduce_sum3A_451 [0] : vector<8x128x128xf32> to vector<128x128xf32>
    %add3A_453 = arith.addf %add3A_428, %reduce_sum3A_452 : vector<128x128xf32>
    %slice3A_454 = vector.extract_strided_slice %dot_general3A_155 {offsets = [96, 0], sizes = [8, 128], strides = [1, 1]} : vector<128x128xf32> to vector<8x128xf32>
    %broadcast_in_dim3A_455 = vector.shape_cast %slice3A_454 : vector<8x128xf32> to vector<8x1x128xf32>
    %iota3A_456 = tpu.iota {dimensions = array<i32: 0>} : vector<8x128x128xi32>
    %add3A_457 = arith.constant 96 : i32
    %add3A_458 = vector.broadcast %add3A_457 : i32 to vector<8x128x128xi32>
    %add3A_459 = arith.addi %add3A_458, %iota3A_456 : vector<8x128x128xi32>
    %gt3A_460 = vector.broadcast %broadcast_in_dim3A_455 : vector<8x1x128xf32> to vector<8x128x128xf32>
    %gt3A_461 = vector.broadcast %broadcast_in_dim3A_158 : vector<1x128x128xf32> to vector<8x128x128xf32>
    %gt3A_462 = arith.cmpf ogt, %gt3A_460, %gt3A_461 : vector<8x128x128xf32>
    %convert_element_type3A_463 = arith.extui %gt3A_462 : vector<8x128x128xi1> to vector<8x128x128xi32>
    %convert_element_type3A_464 = arith.sitofp %convert_element_type3A_463 : vector<8x128x128xi32> to vector<8x128x128xf32>
    %eq3A_465 = vector.broadcast %broadcast_in_dim3A_455 : vector<8x1x128xf32> to vector<8x128x128xf32>
    %eq3A_466 = vector.broadcast %broadcast_in_dim3A_158 : vector<1x128x128xf32> to vector<8x128x128xf32>
    %eq3A_467 = arith.cmpf oeq, %eq3A_465, %eq3A_466 : vector<8x128x128xf32>
    %lt3A_468 = arith.cmpi slt, %add3A_459, %iota3A_159 : vector<8x128x128xi32>
    %and3A_469 = arith.andi %eq3A_467, %lt3A_468 : vector<8x128x128xi1>
    %jit3A_470 = arith.constant 1.000000e+00 : f32
    %jit3A_471 = arith.constant 0.000000e+00 : f32
    %broadcast_in_dim3A_472 = vector.broadcast %jit3A_470 : f32 to vector<8x128x128xf32>
    %broadcast_in_dim3A_473 = vector.broadcast %jit3A_471 : f32 to vector<8x128x128xf32>
    %select_n3A_474 = arith.select %and3A_469, %broadcast_in_dim3A_472, %broadcast_in_dim3A_473 : vector<8x128x128xi1>, vector<8x128x128xf32>
    %add3A_475 = arith.addf %convert_element_type3A_464, %select_n3A_474 : vector<8x128x128xf32>
    %reduce_sum3A_476 = arith.constant dense<0.000000e+00> : vector<128x128xf32>
    %reduce_sum3A_477 = vector.multi_reduction <add>, %add3A_475, %reduce_sum3A_476 [0] : vector<8x128x128xf32> to vector<128x128xf32>
    %add3A_478 = arith.addf %add3A_453, %reduce_sum3A_477 : vector<128x128xf32>
    %slice3A_479 = vector.extract_strided_slice %dot_general3A_155 {offsets = [104, 0], sizes = [8, 128], strides = [1, 1]} : vector<128x128xf32> to vector<8x128xf32>
    %broadcast_in_dim3A_480 = vector.shape_cast %slice3A_479 : vector<8x128xf32> to vector<8x1x128xf32>
    %iota3A_481 = tpu.iota {dimensions = array<i32: 0>} : vector<8x128x128xi32>
    %add3A_482 = arith.constant 104 : i32
    %add3A_483 = vector.broadcast %add3A_482 : i32 to vector<8x128x128xi32>
    %add3A_484 = arith.addi %add3A_483, %iota3A_481 : vector<8x128x128xi32>
    %gt3A_485 = vector.broadcast %broadcast_in_dim3A_480 : vector<8x1x128xf32> to vector<8x128x128xf32>
    %gt3A_486 = vector.broadcast %broadcast_in_dim3A_158 : vector<1x128x128xf32> to vector<8x128x128xf32>
    %gt3A_487 = arith.cmpf ogt, %gt3A_485, %gt3A_486 : vector<8x128x128xf32>
    %convert_element_type3A_488 = arith.extui %gt3A_487 : vector<8x128x128xi1> to vector<8x128x128xi32>
    %convert_element_type3A_489 = arith.sitofp %convert_element_type3A_488 : vector<8x128x128xi32> to vector<8x128x128xf32>
    %eq3A_490 = vector.broadcast %broadcast_in_dim3A_480 : vector<8x1x128xf32> to vector<8x128x128xf32>
    %eq3A_491 = vector.broadcast %broadcast_in_dim3A_158 : vector<1x128x128xf32> to vector<8x128x128xf32>
    %eq3A_492 = arith.cmpf oeq, %eq3A_490, %eq3A_491 : vector<8x128x128xf32>
    %lt3A_493 = arith.cmpi slt, %add3A_484, %iota3A_159 : vector<8x128x128xi32>
    %and3A_494 = arith.andi %eq3A_492, %lt3A_493 : vector<8x128x128xi1>
    %jit3A_495 = arith.constant 1.000000e+00 : f32
    %jit3A_496 = arith.constant 0.000000e+00 : f32
    %broadcast_in_dim3A_497 = vector.broadcast %jit3A_495 : f32 to vector<8x128x128xf32>
    %broadcast_in_dim3A_498 = vector.broadcast %jit3A_496 : f32 to vector<8x128x128xf32>
    %select_n3A_499 = arith.select %and3A_494, %broadcast_in_dim3A_497, %broadcast_in_dim3A_498 : vector<8x128x128xi1>, vector<8x128x128xf32>
    %add3A_500 = arith.addf %convert_element_type3A_489, %select_n3A_499 : vector<8x128x128xf32>
    %reduce_sum3A_501 = arith.constant dense<0.000000e+00> : vector<128x128xf32>
    %reduce_sum3A_502 = vector.multi_reduction <add>, %add3A_500, %reduce_sum3A_501 [0] : vector<8x128x128xf32> to vector<128x128xf32>
    %add3A_503 = arith.addf %add3A_478, %reduce_sum3A_502 : vector<128x128xf32>
    %slice3A_504 = vector.extract_strided_slice %dot_general3A_155 {offsets = [112, 0], sizes = [8, 128], strides = [1, 1]} : vector<128x128xf32> to vector<8x128xf32>
    %broadcast_in_dim3A_505 = vector.shape_cast %slice3A_504 : vector<8x128xf32> to vector<8x1x128xf32>
    %iota3A_506 = tpu.iota {dimensions = array<i32: 0>} : vector<8x128x128xi32>
    %add3A_507 = arith.constant 112 : i32
    %add3A_508 = vector.broadcast %add3A_507 : i32 to vector<8x128x128xi32>
    %add3A_509 = arith.addi %add3A_508, %iota3A_506 : vector<8x128x128xi32>
    %gt3A_510 = vector.broadcast %broadcast_in_dim3A_505 : vector<8x1x128xf32> to vector<8x128x128xf32>
    %gt3A_511 = vector.broadcast %broadcast_in_dim3A_158 : vector<1x128x128xf32> to vector<8x128x128xf32>
    %gt3A_512 = arith.cmpf ogt, %gt3A_510, %gt3A_511 : vector<8x128x128xf32>
    %convert_element_type3A_513 = arith.extui %gt3A_512 : vector<8x128x128xi1> to vector<8x128x128xi32>
    %convert_element_type3A_514 = arith.sitofp %convert_element_type3A_513 : vector<8x128x128xi32> to vector<8x128x128xf32>
    %eq3A_515 = vector.broadcast %broadcast_in_dim3A_505 : vector<8x1x128xf32> to vector<8x128x128xf32>
    %eq3A_516 = vector.broadcast %broadcast_in_dim3A_158 : vector<1x128x128xf32> to vector<8x128x128xf32>
    %eq3A_517 = arith.cmpf oeq, %eq3A_515, %eq3A_516 : vector<8x128x128xf32>
    %lt3A_518 = arith.cmpi slt, %add3A_509, %iota3A_159 : vector<8x128x128xi32>
    %and3A_519 = arith.andi %eq3A_517, %lt3A_518 : vector<8x128x128xi1>
    %jit3A_520 = arith.constant 1.000000e+00 : f32
    %jit3A_521 = arith.constant 0.000000e+00 : f32
    %broadcast_in_dim3A_522 = vector.broadcast %jit3A_520 : f32 to vector<8x128x128xf32>
    %broadcast_in_dim3A_523 = vector.broadcast %jit3A_521 : f32 to vector<8x128x128xf32>
    %select_n3A_524 = arith.select %and3A_519, %broadcast_in_dim3A_522, %broadcast_in_dim3A_523 : vector<8x128x128xi1>, vector<8x128x128xf32>
    %add3A_525 = arith.addf %convert_element_type3A_514, %select_n3A_524 : vector<8x128x128xf32>
    %reduce_sum3A_526 = arith.constant dense<0.000000e+00> : vector<128x128xf32>
    %reduce_sum3A_527 = vector.multi_reduction <add>, %add3A_525, %reduce_sum3A_526 [0] : vector<8x128x128xf32> to vector<128x128xf32>
    %add3A_528 = arith.addf %add3A_503, %reduce_sum3A_527 : vector<128x128xf32>
    %slice3A_529 = vector.extract_strided_slice %dot_general3A_155 {offsets = [120, 0], sizes = [8, 128], strides = [1, 1]} : vector<128x128xf32> to vector<8x128xf32>
    %broadcast_in_dim3A_530 = vector.shape_cast %slice3A_529 : vector<8x128xf32> to vector<8x1x128xf32>
    %iota3A_531 = tpu.iota {dimensions = array<i32: 0>} : vector<8x128x128xi32>
    %add3A_532 = arith.constant 120 : i32
    %add3A_533 = vector.broadcast %add3A_532 : i32 to vector<8x128x128xi32>
    %add3A_534 = arith.addi %add3A_533, %iota3A_531 : vector<8x128x128xi32>
    %gt3A_535 = vector.broadcast %broadcast_in_dim3A_530 : vector<8x1x128xf32> to vector<8x128x128xf32>
    %gt3A_536 = vector.broadcast %broadcast_in_dim3A_158 : vector<1x128x128xf32> to vector<8x128x128xf32>
    %gt3A_537 = arith.cmpf ogt, %gt3A_535, %gt3A_536 : vector<8x128x128xf32>
    %convert_element_type3A_538 = arith.extui %gt3A_537 : vector<8x128x128xi1> to vector<8x128x128xi32>
    %convert_element_type3A_539 = arith.sitofp %convert_element_type3A_538 : vector<8x128x128xi32> to vector<8x128x128xf32>
    %eq3A_540 = vector.broadcast %broadcast_in_dim3A_530 : vector<8x1x128xf32> to vector<8x128x128xf32>
    %eq3A_541 = vector.broadcast %broadcast_in_dim3A_158 : vector<1x128x128xf32> to vector<8x128x128xf32>
    %eq3A_542 = arith.cmpf oeq, %eq3A_540, %eq3A_541 : vector<8x128x128xf32>
    %lt3A_543 = arith.cmpi slt, %add3A_534, %iota3A_159 : vector<8x128x128xi32>
    %and3A_544 = arith.andi %eq3A_542, %lt3A_543 : vector<8x128x128xi1>
    %jit3A_545 = arith.constant 1.000000e+00 : f32
    %jit3A_546 = arith.constant 0.000000e+00 : f32
    %broadcast_in_dim3A_547 = vector.broadcast %jit3A_545 : f32 to vector<8x128x128xf32>
    %broadcast_in_dim3A_548 = vector.broadcast %jit3A_546 : f32 to vector<8x128x128xf32>
    %select_n3A_549 = arith.select %and3A_544, %broadcast_in_dim3A_547, %broadcast_in_dim3A_548 : vector<8x128x128xi1>, vector<8x128x128xf32>
    %add3A_550 = arith.addf %convert_element_type3A_539, %select_n3A_549 : vector<8x128x128xf32>
    %reduce_sum3A_551 = arith.constant dense<0.000000e+00> : vector<128x128xf32>
    %reduce_sum3A_552 = vector.multi_reduction <add>, %add3A_550, %reduce_sum3A_551 [0] : vector<8x128x128xf32> to vector<128x128xf32>
    %add3A_553 = arith.addf %add3A_528, %reduce_sum3A_552 : vector<128x128xf32>
    %add3A_554 = arith.constant 2.000000e+00 : f32
    %add3A_555 = vector.broadcast %add3A_554 : f32 to vector<128x128xf32>
    %add3A_556 = arith.addf %add3A_553, %add3A_555 : vector<128x128xf32>
    %log3A = math.log %add3A_556 : vector<128x128xf32>
    %mul3A_557 = arith.constant 1.44269502 : f32
    %mul3A_558 = vector.broadcast %mul3A_557 : f32 to vector<128x128xf32>
    %mul3A_559 = arith.mulf %log3A, %mul3A_558 : vector<128x128xf32>
    %div3A_560 = arith.divf %div3A_153, %mul3A_559 : vector<128x128xf32>
    %reduce_max3A = arith.constant dense<0xFF800000> : vector<128xf32>
    %reduce_max3A_561 = vector.multi_reduction <maximumf>, %div3A_560, %reduce_max3A [0] : vector<128x128xf32> to vector<128xf32>
    %broadcast_in_dim3A_562 = vector.shape_cast %reduce_max3A_561 : vector<128xf32> to vector<1x128xf32>
    %sub3A_563 = vector.broadcast %broadcast_in_dim3A_562 : vector<1x128xf32> to vector<128x128xf32>
    %sub3A_564 = arith.subf %div3A_560, %sub3A_563 : vector<128x128xf32>
    %exp3A = math.exp %sub3A_564 : vector<128x128xf32>
    %reduce_sum3A_565 = arith.constant dense<0.000000e+00> : vector<128xf32>
    %reduce_sum3A_566 = vector.multi_reduction <add>, %exp3A, %reduce_sum3A_565 [0] : vector<128x128xf32> to vector<128xf32>
    %broadcast_in_dim3A_567 = vector.shape_cast %reduce_sum3A_566 : vector<128xf32> to vector<1x128xf32>
    %log3A_568 = math.log %broadcast_in_dim3A_567 : vector<1x128xf32>
    %sub3A_569 = vector.broadcast %log3A_568 : vector<1x128xf32> to vector<128x128xf32>
    %sub3A_570 = arith.subf %sub3A_564, %sub3A_569 : vector<128x128xf32>
    %iota3A_571 = tpu.iota {dimensions = array<i32: 0>} : vector<128x128xi32>
    %iota3A_572 = tpu.iota {dimensions = array<i32: 1>} : vector<128x128xi32>
    %eq3A_573 = arith.cmpi eq, %iota3A_571, %iota3A_572 : vector<128x128xi32>
    %gt3A_574 = arith.constant 0.000000e+00 : f32
    %gt3A_575 = vector.broadcast %gt3A_574 : f32 to vector<128x1xf32>
    %gt3A_576 = arith.cmpf ogt, %add3A_110, %gt3A_575 : vector<128x1xf32>
    %and3A_577 = vector.broadcast %gt3A_576 : vector<128x1xi1> to vector<128x128xi1>
    %and3A_578 = arith.andi %eq3A_573, %and3A_577 : vector<128x128xi1>
    %neg3A_579 = arith.constant 0.000000e+00 : f32
    %neg3A_580 = vector.broadcast %neg3A_579 : f32 to vector<128x128xf32>
    %neg3A_581 = arith.subf %neg3A_580, %sub3A_570 : vector<128x128xf32>
    %jit3A_582 = arith.constant 0.000000e+00 : f32
    %broadcast_in_dim3A_583 = vector.broadcast %jit3A_582 : f32 to vector<128x128xf32>
    %select_n3A_584 = arith.select %and3A_578, %neg3A_581, %broadcast_in_dim3A_583 : vector<128x128xi1>, vector<128x128xf32>
    %reduce_sum3A_585 = arith.constant dense<0.000000e+00> : vector<128xf32>
    %reduce_sum3A_586 = vector.multi_reduction <add>, %select_n3A_584, %reduce_sum3A_585 [1] : vector<128x128xf32> to vector<128xf32>
    %broadcast_in_dim3A_587 = vector.shape_cast %reduce_sum3A_586 : vector<128xf32> to vector<128x1xf32>
    %reduce_sum3A_588 = arith.constant dense<0.000000e+00> : vector<1xf32>
    %reduce_sum3A_589 = vector.multi_reduction <add>, %broadcast_in_dim3A_587, %reduce_sum3A_588 [0] : vector<128x1xf32> to vector<1xf32>
    %broadcast_in_dim3A_590 = vector.shape_cast %reduce_sum3A_589 : vector<1xf32> to vector<1x1xf32>
    %div3A_591 = arith.constant 1.280000e+02 : f32
    %div3A_592 = vector.broadcast %div3A_591 : f32 to vector<1x1xf32>
    %div3A_593 = arith.divf %broadcast_in_dim3A_590, %div3A_592 : vector<1x1xf32>
    %swap3A = arith.constant 0 : index
    %swap3A_594 = arith.constant 0 : index
    %swap3A_595 = vector.load %arg7[%swap3A, %swap3A_594] : memref<1x1xf32, #tpu.memory_space<vmem>>, vector<1x1xf32>
    tpu.vector_store %arg7[%swap3A, %swap3A_594], %div3A_593 {strides = array<i32>} : memref<1x1xf32, #tpu.memory_space<vmem>>, vector<1x1xf32>,
    return
  }
}

module attributes {stable_mosaic.version = 14 : i64} {
  func.func @_tc_segsum_body(%arg0: i32, %arg1: memref<8x1024xi32, #tpu.memory_space<vmem>>, %arg2: memref<1024x1024xf32, #tpu.memory_space<vmem>>, %arg3: memref<128x1024xf32, #tpu.memory_space<vmem>>) attributes {dimension_semantics = [#tpu.dimension_semantics<arbitrary>], iteration_bounds = array<i64: 7>, scalar_prefetch = 0 : i64, scratch_operands = 0 : i64, tpu.core_type = #tpu.core_type<tc>, window_params = [{pipeline_mode = #tpu.pipeline_mode<synchronous>, transform_indices = @transform_0, window_bounds = array<i64: 8, 1024>}, {transform_indices = @transform_1, window_bounds = array<i64: 1024, 1024>}, {pipeline_mode = #tpu.pipeline_mode<synchronous>, transform_indices = @transform_2, window_bounds = array<i64: 128, 1024>}]} {
    %eq3A = arith.constant 0 : i32
    %eq3A_0 = arith.cmpi eq, %arg0, %eq3A : i32
    %convert_element_type3A = arith.extui %eq3A_0 : i1 to i32
    %cond3A = arith.constant 0 : i32
    %cond3A_1 = arith.cmpi ne, %convert_element_type3A, %cond3A : i32
    scf.if %cond3A_1 {
      %broadcast_in_dim3A = arith.constant 0.000000e+00 : f32
      %broadcast_in_dim3A_20 = vector.broadcast %broadcast_in_dim3A : f32 to vector<128x1024xf32>
      %swap3A_21 = arith.constant 0 : index
      %swap3A_22 = arith.constant 0 : index
      %swap3A_23 = vector.load %arg3[%swap3A_21, %swap3A_22] : memref<128x1024xf32, #tpu.memory_space<vmem>>, vector<128x1024xf32>
      tpu.vector_store %arg3[%swap3A_21, %swap3A_22], %broadcast_in_dim3A_20 {strides = array<i32>} : memref<128x1024xf32, #tpu.memory_space<vmem>>, vector<128x1024xf32>,
    } else {
    }
    %add3A = arith.constant 1 : i32
    %add3A_2 = arith.addi %arg0, %add3A : i32
    %get3A = arith.index_cast %add3A_2 : i32 to index
    %get3A_3 = arith.constant 0 : index
    %get3A_4 = vector.load %arg1[%get3A, %get3A_3] : memref<8x1024xi32, #tpu.memory_space<vmem>>, vector<1x1024xi32>
    %iota3A = tpu.iota {dimensions = array<i32: 0>} : vector<128x1xi32>
    %eq3A_5 = vector.broadcast %get3A_4 : vector<1x1024xi32> to vector<128x1024xi32>
    %eq3A_6 = vector.broadcast %iota3A : vector<128x1xi32> to vector<128x1024xi32>
    %eq3A_7 = arith.cmpi eq, %eq3A_5, %eq3A_6 : vector<128x1024xi32>
    %convert_element_type3A_8 = arith.extui %eq3A_7 : vector<128x1024xi1> to vector<128x1024xi32>
    %convert_element_type3A_9 = arith.sitofp %convert_element_type3A_8 : vector<128x1024xi32> to vector<128x1024xf32>
    %get3A_10 = arith.constant 0 : index
    %get3A_11 = arith.constant 0 : index
    %get3A_12 = vector.load %arg3[%get3A_10, %get3A_11] : memref<128x1024xf32, #tpu.memory_space<vmem>>, vector<128x1024xf32>
    %get3A_13 = arith.constant 0 : index
    %get3A_14 = arith.constant 0 : index
    %get3A_15 = vector.load %arg2[%get3A_13, %get3A_14] : memref<1024x1024xf32, #tpu.memory_space<vmem>>, vector<1024x1024xf32>
    %dot_general3A = arith.constant dense<0.000000e+00> : vector<128x1024xf32>
    %dot_general3A_16 = tpu.matmul %convert_element_type3A_9, %get3A_15, %dot_general3A {dimension_numbers = #tpu.dot_dimension_numbers<[1], [0], [0], [1], [0, 0, 1, 1], [], []>, transpose_lhs_hint = false} : vector<128x1024xf32>, vector<1024x1024xf32>, vector<128x1024xf32> -> vector<128x1024xf32>
    %add3A_17 = arith.addf %get3A_12, %dot_general3A_16 : vector<128x1024xf32>
    %swap3A = arith.constant 0 : index
    %swap3A_18 = arith.constant 0 : index
    %swap3A_19 = vector.load %arg3[%swap3A, %swap3A_18] : memref<128x1024xf32, #tpu.memory_space<vmem>>, vector<128x1024xf32>
    tpu.vector_store %arg3[%swap3A, %swap3A_18], %add3A_17 {strides = array<i32>} : memref<128x1024xf32, #tpu.memory_space<vmem>>, vector<128x1024xf32>,
    return
  }
  func.func @transform_0(%arg0: i32) -> (i32, i32) {
    %c0_i32 = arith.constant 0 : i32
    %c0_i32_0 = arith.constant 0 : i32
    %c0_i32_1 = arith.constant 0 : i32
    return %c0_i32, %c0_i32_0 : i32, i32
  }
  func.func @transform_1(%arg0: i32) -> (i32, i32) {
    %add3A = arith.constant 1 : i32
    %add3A_0 = arith.addi %arg0, %add3A : i32
    %c0_i32 = arith.constant 0 : i32
    %c0_i32_1 = arith.constant 0 : i32
    return %add3A_0, %c0_i32 : i32, i32
  }
  func.func @transform_2(%arg0: i32) -> (i32, i32) {
    %c0_i32 = arith.constant 0 : i32
    %c0_i32_0 = arith.constant 0 : i32
    %c0_i32_1 = arith.constant 0 : i32
    return %c0_i32, %c0_i32_0 : i32, i32
  }
}

</mosaic_0001>

<sc_bundles>
// kernel: _run.5.cloned.1.call-start
scs
__scs_entry_jumppad:
0x0: {  	(pc) =	sbr.rel $0x88, $3  }
0x1: {  	(tag) =	ssettag $0x0;
	lr =	simm.s32 $0x1  }
0x2: {  	[smem:$0x3F9B] =	sst lr;
	_ =	strace $0xD0000000  }
0x3: {  	_ = 	snop  }
0x4: {  	_ = 	snop  }
0x5: {  	_ = 	snop  }
0x6: {  	_ = 	snop  }
0x7: {  	_ = 	snop  }
__scs_overlays_trampoline_lowered:
0x8: {  	[smem:$0x3FAA] =	sst s0  }
0x9: {  	[smem:$0x3FAB] =	sst s1  }
0xa: {  	[smem:$0x3FAC] =	sst s2  }
0xb: {  	[smem:$0x3FAD] =	sst s3  }
0xc: {  	[smem:$0x3FAE] =	sst s4  }
0xd: {  	[smem:$0x3FAF] =	sst s5  }
0xe: {  	[smem:$0x3FB0] =	sst s6  }
0xf: {  	[smem:$0x3FB1] =	sst s7  }
0x10: {  	[smem:$0x3FB2] =	sst s8  }
0x11: {  	[smem:$0x3FB3] =	sst s9;
	s0 =	simm.s32 @!p0 $0x0  }
0x12: {  	s1 =	sld [smem:$0x3F99];
	s0 =	simm.s32 @p0 $0x1  }
0x13: {  	[smem:$0x3FB4] =	sst s0;
	s0 =	simm.s32 @!p1 $0x0  }
0x14: {  	s2 =	sld [smem:$0x3F98];
	s0 =	simm.s32 @p1 $0x1  }
0x15: {  	[smem:$0x3FB5] =	sst s0;
	s0 =	simm.s32 @!p2 $0x0  }
0x16: {  	s3 =	sld [smem:$0x3FDB];
	s0 =	simm.s32 @p2 $0x1  }
0x17: {  	s4 =	simm.s32 $0x1BF5;
	[smem:$0x3FB7] =	sst s0  }
0x18: {  	s0 =	sld [smem:$0x3F9A];
	_ =	swait.ge [sflag:s4], $0x0  }
0x19: {  	s7 =	sld [smem:$0x3F9B]  }
0x1a: {  	s8 =	sadd.s32 $0xFFFFE003, lr  }
0x1b: {  	s9 =	sadd.s32 $0xFFFFFEF7, lr;
	s5 =	simm.s32 $0xFFFFFFFF;
	p2 =	slt.u32 s8, $0xFFFFF086  }
0x1c: {  	p1 =	slt.u32 s9, $0xF7A;
	s5 =	simm.s32 @!p2 $0x0  }
0x1d: {  	s5 =	simm.s32 @p1 $0x1;
	p0 =	seq.s32 s7, s2  }
0x1e: {  	s7 =	smul.u32 @!p0 $0xF7A, s2;
	p2 =	seq.s32 @!p0 s5, $0x0  }
0x1f: {  	s9 =	smul.u32 $0xF7A, s1;
	s8 =	simm.s32 @!p0 $0x1BF5;
	p2 =	por !p2, p0  }
0x20: {  	[sflag:s8] =	ssyncset.s32 @!p0 $0xFFFFF086;
	s6 =	sadd.s32 @!p0 s3, s7;
	s7 =	simm.s32 @!p0 $0x108  }
0x21: {  	s3 =	sadd.s32 s3, s9;
	s6 =	sadd.s32 @!p0 $0x88, s6;
	s7 =	simm.s32 @p2 $0x1082  }
0x22: {  	[simem:s7], [sflag:s8] =	dma.local @!p0 [hbm:s6], $0xF7A  }
0x23: {  	s9 =	sor.u32 $0xD0000000, s2;
	s6 =	simm.s32 $0x108;
	_ =	swait.ge @!p0 [sflag:s8], $0x0  }
0x24: {  	s3 =	sadd.s32 $0x88, s3;
	s6 =	simm.s32 @!p1 $0x1082;
	[sflag:s4] =	ssyncset.s32 $0xFFFFF086  }
0x25: {  	[simem:s6], [sflag:s4] =	dma.local [hbm:s3], $0xF7A  }
0x26: {  	[smem:$0x3F9B] =	sst s1;
	(tag) =	ssettag s2;
	_ =	strace s9  }
0x27: {  	s1 =	sld [smem:$0x3FAB]  }
0x28: {  	s2 =	sld [smem:$0x3FAC]  }
0x29: {  	s4 =	sld [smem:$0x3FAE]  }
0x2a: {  	p0 =	seq.s32 s5, $0x0;
	s5 =	sld [smem:$0x3FAF]  }
0x2b: {  	s6 =	sld [smem:$0x3FB0]  }
0x2c: {  	s7 =	sld [smem:$0x3FB1]  }
0x2d: {  	s3 =	simm.s32 $0x108;
	s8 =	sld [smem:$0x3FB2]  }
0x2e: {  	s3 =	simm.s32 @!p0 $0x1082;
	s9 =	sld [smem:$0x3FB3]  }
0x2f: {  	lr =	sadd.s32 s0, s3;
	s0 =	sld [smem:$0x3FAA]  }
0x30: {  	s3 =	sld [smem:$0x3FAD]  }
0x31: {  	[smem:$0x3FB6] =	sst s10  }
0x32: {  	s10 =	sld [smem:$0x3FB4];
	_ =	sdelay $0x3  }
0x33: {  	p0 =	seq.s32 s10, $0x1;
	s10 =	sld [smem:$0x3FB6];
	_ =	sdelay $0x3  }
0x34: {  	[smem:$0x3FB6] =	sst s10  }
0x35: {  	s10 =	sld [smem:$0x3FB5];
	_ =	sdelay $0x3  }
0x36: {  	p1 =	seq.s32 s10, $0x1;
	s10 =	sld [smem:$0x3FB6];
	_ =	sdelay $0x3  }
0x37: {  	[smem:$0x3FB6] =	sst s10  }
0x38: {  	s10 =	sld [smem:$0x3FB7]  }
0x39: {  	_ = 	snop;
	(pc) =	sbr.ind lr, $3  }
0x3a: {  	_ = 	snop  }
0x3b: {  	_ = 	snop  }
0x3c: {  	p2 =	seq.s32 s10, $0x1;
	s10 =	sld [smem:$0x3FB6]  }
0x3d: {  	_ =	shalt  }
0x3e: {  	_ =	shalt  }
0x3f: {  	_ =	shalt  }
0x40: {  	_ =	shalt  }
0x41: {  	_ =	shalt  }
0x42: {  	_ =	shalt  }
0x43: {  	_ =	shalt  }
0x44: {  	_ =	shalt  }
0x45: {  	_ =	shalt  }
0x46: {  	_ =	shalt  }
0x47: {  	_ =	shalt  }
0x48: {  	_ =	shalt  }
0x49: {  	_ =	shalt  }
0x4a: {  	_ =	shalt  }
0x4b: {  	_ =	shalt  }
0x4c: {  	_ =	shalt  }
0x4d: {  	_ =	shalt  }
0x4e: {  	_ =	shalt  }
0x4f: {  	_ =	shalt  }
0x50: {  	_ =	shalt  }
0x51: {  	_ =	shalt  }
0x52: {  	_ =	shalt  }
0x53: {  	_ =	shalt  }
0x54: {  	_ =	shalt  }
0x55: {  	_ =	shalt  }
0x56: {  	_ =	shalt  }
0x57: {  	_ =	shalt  }
0x58: {  	_ =	shalt  }
0x59: {  	_ =	shalt  }
0x5a: {  	_ =	shalt  }
0x5b: {  	_ =	shalt  }
0x5c: {  	_ =	shalt  }
0x5d: {  	_ =	shalt  }
0x5e: {  	_ =	shalt  }
0x5f: {  	_ =	shalt  }
0x60: {  	_ =	shalt  }
0x61: {  	_ =	shalt  }
0x62: {  	_ =	shalt  }
0x63: {  	_ =	shalt  }
0x64: {  	_ =	shalt  }
0x65: {  	_ =	shalt  }
0x66: {  	_ =	shalt  }
0x67: {  	_ =	shalt  }
0x68: {  	_ =	shalt  }
0x69: {  	_ =	shalt  }
0x6a: {  	_ =	shalt  }
0x6b: {  	_ =	shalt  }
0x6c: {  	_ =	shalt  }
0x6d: {  	_ =	shalt  }
0x6e: {  	_ =	shalt  }
0x6f: {  	_ =	shalt  }
0x70: {  	_ =	shalt  }
0x71: {  	_ =	shalt  }
0x72: {  	_ =	shalt  }
0x73: {  	_ =	shalt  }
0x74: {  	_ =	shalt  }
0x75: {  	_ =	shalt  }
0x76: {  	_ =	shalt  }
0x77: {  	_ =	shalt  }
0x78: {  	_ =	shalt  }
0x79: {  	_ =	shalt  }
0x7a: {  	_ =	shalt  }
0x7b: {  	_ =	shalt  }
0x7c: {  	_ =	shalt  }
0x7d: {  	_ =	shalt  }
0x7e: {  	_ =	shalt  }
0x7f: {  	_ =	shalt  }
0x80: {  	_ =	shalt  }
0x81: {  	_ =	shalt  }
0x82: {  	_ =	shalt  }
0x83: {  	_ =	shalt  }
0x84: {  	_ =	shalt  }
0x85: {  	_ =	shalt  }
0x86: {  	_ =	shalt  }
0x87: {  	_ =	shalt  }
.Lfunc_end0:
.L_simem_size_0:
called_computation_lowered:
.L_overlay_start_0:
0x88: {  	s2 =	sld [smem:$0x3FD9]  }
0x89: {  	s3 =	sld [smem:$0x3FFE];
	_ =	sdelay $0x1  }
0x8a: {  	s1 =	srdreg.scid  }
0x8b: {  	s0 =	sand.u32 $0x1, s1  }
0x8c: {  	s17 =	sshll.u32 s0, $0xA;
	s2 =	sadd.s32 s3, s2  }
0x8d: {  	s2 =	sadd.s32 s2, s17  }
0x8e: {  	[smem:$0x3FC2] =	sst s2  }
0x8f: {  	_ = 	snop  }
0x90: {  	s2 =	sld [smem:$0x3FC9];
	(tm) =	ssettm $0x1  }
0x91: {  	s18 =	sld [smem:$0x3FFB];
	_ =	sdelay $0x3  }
0x92: {  	_ =	strace s18  }
0x93: {  	s3 =	sld [smem:$0x3FFC];
	_ =	sdelay $0x3  }
0x94: {  	_ =	strace s3  }
0x95: {  	s3 =	sld [smem:$0x3FFD];
	_ =	sdelay $0x3  }
0x96: {  	_ =	strace s3  }
0x97: {  	_ =	strace $0x8FFFFFFF  }
0x98: {  	s19 =	sld [smem:$0x3FDB];
	_ =	sdelay $0x1  }
0x99: {  	s4 =	simm.s32 $_scs_section_size  }
0x9a: {  	s5 =	simm.s32 $_size__tile_overlayer_lowered;
	s6 =	simm.s32 $_tile_overlayer_lowered  }
0x9b: {  	s22 =	simm.s32 $0x1BFF;
	s21 =	sshll.u32 s6, $0x1;
	s3 =	sadd.s32 s4, s19  }
0x9c: {  	s7 =	simm.s32 $0x0;
	s20 =	sshll.u32 s5, $0x1;
	s5 =	sadd.s32 s21, s3  }
0x9d: {  	[timem:s7], [sflag:s22] =	dma.local [hbm:s5], s20  }
0x9e: {  	_ =	swait.ge [sflag:s22], s20  }
0x9f: {  	s4 =	ssub.s32 $0x0, s20;
	[sflag:s22] =	ssyncset.done $0x0  }
0xa0: {  	[sflag:s22] =	ssyncadd.s32 s4;
	_ =	sdelay $0x1  }
0xa1: {  	s23 =	simm.s32 $0x1B8B  }
0xa2: {  	_ =	swait.ge [sflag:s23], $0x1  }
0xa3: {  	[sflag:s23] =	ssyncset.done $0x0  }
0xa4: {  	s25 =	simm.s32 $0x1B8E;
	s24 =	sld [smem:$0x3FFE];
	[sflag:s23] =	ssyncadd.s32 $0xFFFFFFFF  }
0xa5: {  	s26 =	simm.s32 $execute0_lowered;
	[smem:$0x3FD2] =	sst s25  }
0xa6: {  	s5 =	sshll.u32 s26, $0x1;
	_ =	strace $0x80000046;
	[dreg:$0x1] =	wrdreg $0xFFFFFFFF  }
0xa7: {  	s28 =	simm.s32 $_size_execute0_lowered;
	s3 =	sadd.s32 s3, s5;
	[dreg:$0x0] =	wrdreg $0x0  }
0xa8: {  	s5 =	sshll.u32 s28, $0x1;
	[dreg:$0x2] =	wrdreg s3  }
0xa9: {  	[dreg:$0x3] =	wrdreg s5  }
0xaa: {  	[dreg:$0x4] =	wrdreg $0xC0  }
0xab: {  	_ =	task [dreg:s7], $0x5FFFF  }
0xac: {  	[dreg:$0x1] =	wrdreg $0xFFFFFFFF  }
0xad: {  	[dreg:$0x0] =	wrdreg $0x60  }
0xae: {  	[dreg:$0x2] =	wrdreg s2  }
0xaf: {  	[dreg:$0x3] =	wrdreg s24  }
0xb0: {  	[dreg:$0x4] =	wrdreg $0x9  }
0xb1: {  	_ =	task.clear_ibuf [dreg:s7], $0x5FFFF;
	_ =	strace $0x90000046  }
0xb2: {  	s29 =	simm.s32 $0x9;
	_ =	strace $0x80000048  }
0xb3: {  	_ =	swait.ge [sflag:s29], $0x1  }
0xb4: {  	[sflag:s29] =	ssyncadd.s32 $0xFFFFFFFF  }
0xb5: {  	_ =	strace $0x90000048  }
0xb6: {  	_ =	sfence  }
0xb7: {  	s30 =	sld [smem:$0x0];
	_ =	sdelay $0x2  }
0xb8: {  	s31 =	sshll.u32 s1, $0xD;
	s1 =	sshrl.u32 s1, $0x2  }
0xb9: {  	s3 =	sand.u32 $0x4000, s31;
	s1 =	sadd.s32 s1, s30  }
0xba: {  	s0 =	sor.u32 s3, s0;
	s1 =	sshll.u32 s1, $0x11  }
0xbb: {  	s0 =	sor.u32 s1, s0  }
0xbc: {  	s0 =	sadd.s32 $0x8F2B, s0  }
0xbd: {  	[sflag:s0] =	ssyncadd.remote.s32 $0x1  }
0xbe: {  	_ =	sfence.sel $0xFFFF  }
0xbf: {  	[dreg:$0x0] =	wrdreg $0xFFFFFFFF;
	(pc) =	sbr.abs _section_cstart, $3  }
0xc0: {  	[dreg:$0x1] =	wrdreg $0xFFFFFFFF  }
0xc1: {  	_ =	task.clear_ibuf [dreg:s7], $0x2FFFF;
	_ =	strace $0x9FFFFFFF  }
0xc2: {  	(tm) =	ssettm $0x7FFFFFFF  }
0xc3: {  	_ =	shalt  }
tec
execute0_lowered:
.L_overlay_start_1:
0x0: {  	(tag) =	ssettag $0x1  }
0x1: {  	s0 =	srdreg.scid;
	s1 =	rddreg [dreg:$0x0]  }
0x2: {  	s9 =	rddreg [dreg:$0x1];
	s8 =	stileid.u32;
	s2 =	simm.s32 $0x0  }
0x3: {  	s11 =	simm.s32 $0x2;
	s12 =	simm.s32 $0x2080;
	s13 =	simm.s32 $0x80  }
0x4: {  	s14 =	simm.s32 $0x1;
	s15 =	simm.s32 $0x2880;
	s16 =	simm.s32 $0x3080  }
0x5: {  	s17 =	simm.s32 $0x3880;
	s18 =	simm.s32 $0x4080;
	s19 =	simm.s32 $0x4880  }
0x6: {  	s20 =	simm.s32 $0x5080;
	s21 =	simm.s32 $0x5880;
	s22 =	simm.s32 $0x6080  }
0x7: {  	s23 =	simm.s32 $0x6880;
	s24 =	simm.s32 $0x7080;
	s28 =	simm.s32 $0x8880  }
0x8: {  	s29 =	simm.s32 $0x9080;
	s30 =	simm.s32 $0x9880;
	s31 =	simm.s32 $0x0  }
0x9: {  	s0 =	sand.u32 $0x1, s0;
	[smem:$0x7FF] =	sst s2;
	s25 =	sshll.u32 s8, $0xA  }
0xa: {  	s3 =	sshll.u32 s0, $0x4;
	s5 =	ssub.s32 $0x2, s0;
	_ =	strace $0x80000047  }
0xb: {  	s0 =	sshll.u32 s0, $0xE;
	s4 =	sor.u32 s8, s3;
	s7 =	sshrl.u32 s5, $0x1  }
0xc: {  	s3 =	sshll.u32 s4, $0x4;
	s10 =	ssub.s32 s5, s7;
	s26 =	sshll.u32 s4, $0xC  }
0xd: {  	s7 =	sadd.s32 $0xD00, s9;
	s6 =	sadd.s32 s3, s9;
	s3 =	sadd.s32 $0xC00, s9  }
0xe: {  	v3 =	vlaneseq.u32;
	s5 =	sadd.s32 s1, s26;
	s10 =	smax.u32 s10, $0x1;
	s26 =	simm.s32 $0x8080  }
0xf: {  	v0 =	vimm.f32 $0.0e+00;
	vm0 =	vmmov $0xffff;
	v2 =	vshrl.u32 v3, $0x3;
	s8 =	sadd.s32 s3, s25;
	s4 =	sadd.s32 $0xA00, s6;
	s25 =	simm.s32 $0x7880  }
0x10: {  	v1 =	vand.u32 $0x7, v3;
	v3 =	vor.u32 $0x8, v3;
	v2 =	vmul.u32 $0x8, v2;
	s6 =	sadd.s32 s0, s8;
	s8 =	sadd.s32 $0xE00, s9;
	s9 =	sadd.s32 $0xF00, s9  }
.LBB2_1:
0x11: {  	[tilespmem:s2], [sflag:$0x2] =	stream.linear.gather [hbm4b:s4+s2], $0x80, $0x38;
	[tilespmem:$0xA080] =	vst v63  }
0x12: {  	_ =	swait.ge [sflag:s11], $0x80  }
0x13: {  	[sflag:s11] =	ssyncset.done $0x0  }
0x14: {  	s0 =	simm.s32 $0xFFFFFC00;
	s1 =	simm.s32 $0xFFFFF200;
	[sflag:s11] =	ssyncadd.s32 $0xFFFFFF80  }
0x15: {  	[tilespmem:s12], [sflag:$0x1] =	stream.linear.gather [hbm4b:s5+s2], $0x8000, $0x38;
	[tilespmem:$0xA080] =	vst v63  }
.LBB2_2:
0x16: {  	p0 =	sne.s32 s1, $0xFFFFFE00;
	[tilespmem:s0+$0x20F0] =	vst v0  }
0x17: {  	[tilespmem:s0+$0x480] =	vst v0  }
0x18: {  	[tilespmem:s0+$0x490] =	vst v0  }
0x19: {  	[tilespmem:s0+$0x4A0] =	vst v0  }
0x1a: {  	[tilespmem:s0+$0x4B0] =	vst v0  }
0x1b: {  	[tilespmem:s0+$0x4C0] =	vst v0  }
0x1c: {  	[tilespmem:s0+$0x4D0] =	vst v0  }
0x1d: {  	[tilespmem:s0+$0x4E0] =	vst v0  }
0x1e: {  	[tilespmem:s0+$0x4F0] =	vst v0  }
0x1f: {  	[tilespmem:s0+$0x880] =	vst v0  }
0x20: {  	[tilespmem:s0+$0x890] =	vst v0  }
0x21: {  	[tilespmem:s0+$0x8A0] =	vst v0  }
0x22: {  	[tilespmem:s0+$0x8B0] =	vst v0  }
0x23: {  	[tilespmem:s0+$0x8C0] =	vst v0  }
0x24: {  	[tilespmem:s0+$0x8D0] =	vst v0  }
0x25: {  	[tilespmem:s0+$0x8E0] =	vst v0  }
0x26: {  	[tilespmem:s0+$0x8F0] =	vst v0  }
0x27: {  	[tilespmem:s0+$0xC80] =	vst v0  }
0x28: {  	[tilespmem:s0+$0xC90] =	vst v0  }
0x29: {  	[tilespmem:s0+$0xCA0] =	vst v0  }
0x2a: {  	[tilespmem:s0+$0xCB0] =	vst v0  }
0x2b: {  	[tilespmem:s0+$0xCC0] =	vst v0  }
0x2c: {  	[tilespmem:s0+$0xCD0] =	vst v0  }
0x2d: {  	[tilespmem:s0+$0xCE0] =	vst v0  }
0x2e: {  	[tilespmem:s0+$0xCF0] =	vst v0  }
0x2f: {  	[tilespmem:s0+$0x1080] =	vst v0  }
0x30: {  	[tilespmem:s0+$0x1090] =	vst v0  }
0x31: {  	[tilespmem:s0+$0x10A0] =	vst v0  }
0x32: {  	[tilespmem:s0+$0x10B0] =	vst v0  }
0x33: {  	[tilespmem:s0+$0x10C0] =	vst v0  }
0x34: {  	[tilespmem:s0+$0x10D0] =	vst v0  }
0x35: {  	[tilespmem:s0+$0x10E0] =	vst v0  }
0x36: {  	[tilespmem:s0+$0x10F0] =	vst v0  }
0x37: {  	[tilespmem:s0+$0x1480] =	vst v0  }
0x38: {  	[tilespmem:s0+$0x1490] =	vst v0  }
0x39: {  	[tilespmem:s0+$0x14A0] =	vst v0  }
0x3a: {  	[tilespmem:s0+$0x14B0] =	vst v0  }
0x3b: {  	[tilespmem:s0+$0x14C0] =	vst v0  }
0x3c: {  	[tilespmem:s0+$0x14D0] =	vst v0  }
0x3d: {  	[tilespmem:s0+$0x14E0] =	vst v0  }
0x3e: {  	[tilespmem:s0+$0x14F0] =	vst v0  }
0x3f: {  	[tilespmem:s0+$0x1880] =	vst v0  }
0x40: {  	[tilespmem:s0+$0x1890] =	vst v0  }
0x41: {  	[tilespmem:s0+$0x18A0] =	vst v0  }
0x42: {  	[tilespmem:s0+$0x18B0] =	vst v0  }
0x43: {  	[tilespmem:s0+$0x18C0] =	vst v0  }
0x44: {  	[tilespmem:s0+$0x18D0] =	vst v0  }
0x45: {  	[tilespmem:s0+$0x18E0] =	vst v0  }
0x46: {  	[tilespmem:s0+$0x18F0] =	vst v0  }
0x47: {  	[tilespmem:s0+$0x1C80] =	vst v0  }
0x48: {  	[tilespmem:s0+$0x1C90] =	vst v0  }
0x49: {  	[tilespmem:s0+$0x1CA0] =	vst v0  }
0x4a: {  	[tilespmem:s0+$0x1CB0] =	vst v0  }
0x4b: {  	[tilespmem:s0+$0x1CC0] =	vst v0  }
0x4c: {  	[tilespmem:s0+$0x1CD0] =	vst v0  }
0x4d: {  	[tilespmem:s0+$0x1CE0] =	vst v0  }
0x4e: {  	[tilespmem:s0+$0x1CF0] =	vst v0  }
0x4f: {  	[tilespmem:s0+$0x2080] =	vst v0  }
0x50: {  	[tilespmem:s0+$0x2090] =	vst v0  }
.Ltmp0:
0x51: {  	[tilespmem:s0+$0x20A0] =	vst v0;
	(pc) =	sbr.rel @p0 .LBB2_2-.Ltmp0, $4  }
0x52: {  	[tilespmem:s0+$0x20B0] =	vst v0  }
0x53: {  	[tilespmem:s0+$0x20C0] =	vst v0  }
0x54: {  	[tilespmem:s0+$0x20D0] =	vst v0  }
0x55: {  	[tilespmem:s0+$0x20E0] =	vst v0;
	s0 =	sshra.s32 s1, $0x2;
	s1 =	sadd.s32 $0x200, s1  }
0x56: {  	[tilespmem:s0+$0x20F0] =	vst v0  }
0x57: {  	[tilespmem:s0+$0x480] =	vst v0  }
0x58: {  	[tilespmem:s0+$0x490] =	vst v0  }
0x59: {  	[tilespmem:s0+$0x4A0] =	vst v0  }
0x5a: {  	[tilespmem:s0+$0x4B0] =	vst v0  }
0x5b: {  	[tilespmem:s0+$0x4C0] =	vst v0  }
0x5c: {  	[tilespmem:s0+$0x4D0] =	vst v0  }
0x5d: {  	[tilespmem:s0+$0x4E0] =	vst v0  }
0x5e: {  	[tilespmem:s0+$0x4F0] =	vst v0  }
0x5f: {  	[tilespmem:s0+$0x880] =	vst v0  }
0x60: {  	[tilespmem:s0+$0x890] =	vst v0  }
0x61: {  	[tilespmem:s0+$0x8A0] =	vst v0  }
0x62: {  	[tilespmem:s0+$0x8B0] =	vst v0  }
0x63: {  	[tilespmem:s0+$0x8C0] =	vst v0  }
0x64: {  	[tilespmem:s0+$0x8D0] =	vst v0  }
0x65: {  	[tilespmem:s0+$0x8E0] =	vst v0  }
0x66: {  	[tilespmem:s0+$0x8F0] =	vst v0  }
0x67: {  	[tilespmem:s0+$0xC80] =	vst v0  }
0x68: {  	[tilespmem:s0+$0xC90] =	vst v0  }
0x69: {  	[tilespmem:s0+$0xCA0] =	vst v0  }
0x6a: {  	[tilespmem:s0+$0xCB0] =	vst v0  }
0x6b: {  	[tilespmem:s0+$0xCC0] =	vst v0  }
0x6c: {  	[tilespmem:s0+$0xCD0] =	vst v0  }
0x6d: {  	[tilespmem:s0+$0xCE0] =	vst v0  }
0x6e: {  	[tilespmem:s0+$0xCF0] =	vst v0  }
0x6f: {  	[tilespmem:s0+$0x1080] =	vst v0  }
0x70: {  	[tilespmem:s0+$0x1090] =	vst v0  }
0x71: {  	[tilespmem:s0+$0x10A0] =	vst v0  }
0x72: {  	[tilespmem:s0+$0x10B0] =	vst v0  }
0x73: {  	[tilespmem:s0+$0x10C0] =	vst v0  }
0x74: {  	[tilespmem:s0+$0x10D0] =	vst v0  }
0x75: {  	[tilespmem:s0+$0x10E0] =	vst v0  }
0x76: {  	[tilespmem:s0+$0x10F0] =	vst v0  }
0x77: {  	[tilespmem:s0+$0x1480] =	vst v0  }
0x78: {  	[tilespmem:s0+$0x1490] =	vst v0  }
0x79: {  	[tilespmem:s0+$0x14A0] =	vst v0  }
0x7a: {  	[tilespmem:s0+$0x14B0] =	vst v0  }
0x7b: {  	[tilespmem:s0+$0x14C0] =	vst v0  }
0x7c: {  	[tilespmem:s0+$0x14D0] =	vst v0  }
0x7d: {  	[tilespmem:s0+$0x14E0] =	vst v0  }
0x7e: {  	[tilespmem:s0+$0x14F0] =	vst v0  }
0x7f: {  	[tilespmem:s0+$0x1880] =	vst v0  }
0x80: {  	[tilespmem:s0+$0x1890] =	vst v0  }
0x81: {  	[tilespmem:s0+$0x18A0] =	vst v0  }
0x82: {  	[tilespmem:s0+$0x18B0] =	vst v0  }
0x83: {  	[tilespmem:s0+$0x18C0] =	vst v0  }
0x84: {  	[tilespmem:s0+$0x18D0] =	vst v0  }
0x85: {  	[tilespmem:s0+$0x18E0] =	vst v0  }
0x86: {  	[tilespmem:s0+$0x18F0] =	vst v0  }
0x87: {  	[tilespmem:s0+$0x1C80] =	vst v0  }
0x88: {  	[tilespmem:s0+$0x1C90] =	vst v0  }
0x89: {  	[tilespmem:s0+$0x1CA0] =	vst v0  }
0x8a: {  	[tilespmem:s0+$0x1CB0] =	vst v0  }
0x8b: {  	[tilespmem:s0+$0x1CC0] =	vst v0  }
0x8c: {  	[tilespmem:s0+$0x1CD0] =	vst v0  }
0x8d: {  	[tilespmem:s0+$0x1CE0] =	vst v0  }
0x8e: {  	[tilespmem:s0+$0x1CF0] =	vst v0  }
0x8f: {  	[tilespmem:s0+$0x2080] =	vst v0  }
0x90: {  	[tilespmem:s0+$0x2090] =	vst v0  }
0x91: {  	[tilespmem:s0+$0x20A0] =	vst v0  }
0x92: {  	[tilespmem:s0+$0x20B0] =	vst v0  }
0x93: {  	[tilespmem:s0+$0x20C0] =	vst v0  }
0x94: {  	[tilespmem:s0+$0x20D0] =	vst v0  }
0x95: {  	[tilespmem:s0+$0x20E0] =	vst v0  }
0x96: {  	[hbm4b:s6+s2] =	stream.linear.scatter [tilespmem:s13], [sflag:$0x2], $0x2000, $0x38;
	[tilespmem:$0xA080] =	vst v63  }
0x97: {  	_ =	swait.ge [sflag:s11], $0x2000  }
0x98: {  	[sflag:s11] =	ssyncset.done $0x0  }
0x99: {  	[sflag:s11] =	ssyncadd.s32 $0xFFFFE000  }
0x9a: {  	[bflag:$0x0] =	sbarrier.arrive $0xFFFF  }
0x9b: {  	_ =	swait.ge [sflag:s14], $0x8000  }
0x9c: {  	[sflag:s14] =	ssyncset.done $0x0  }
0x9d: {  	[sflag:s14] =	ssyncadd.s32 $0xFFFF8000  }
0x9e: {  	v4 =	vld [tilespmem:$0x0];
	_ =	sdelay $0x4  }
0x9f: {  	v5 =	vshll.u32 v4, $0x3  }
0xa0: {  	v4 =	vand.u32 $0x7, v4;
	v5 =	vand.u32 $0xFFFFFFC0, v5  }
0xa1: {  	v4 =	vor.u32 v4, v5  }
0xa2: {  	v5 =	vperm.xlane v4, v1;
	_ =	sdelay $0x1  }
0xa3: {  	v5 =	vadd.s32 v2, v5;
	_ =	sdelay $0x4  }
0xa4: {  	[hbm4b:s3+s2] =	stream.indirect_vreg.scatter [tilespmem:s12], [sflag:$0x2], $0x80, v5, vm0, $0xb8;
	[tilespmem:$0xA080] =	vst v63  }
0xa5: {  	v4 =	vperm.xlane v4, v3  }
0xa6: {  	[hbm4b:s7+s2] =	stream.indirect_vreg.scatter [tilespmem:s15], [sflag:$0x2], $0x80, v5, vm0, $0xb8;
	[tilespmem:$0xA080] =	vst v63  }
0xa7: {  	v4 =	vadd.s32 v2, v4  }
0xa8: {  	[hbm4b:s8+s2] =	stream.indirect_vreg.scatter [tilespmem:s16], [sflag:$0x2], $0x80, v5, vm0, $0xb8;
	[tilespmem:$0xA080] =	vst v63  }
0xa9: {  	_ = 	snop  }
0xaa: {  	[hbm4b:s9+s2] =	stream.indirect_vreg.scatter [tilespmem:s17], [sflag:$0x2], $0x80, v5, vm0, $0xb8;
	[tilespmem:$0xA080] =	vst v63  }
0xab: {  	_ = 	snop  }
0xac: {  	[hbm4b:s3+s2] =	stream.indirect_vreg.scatter [tilespmem:s18], [sflag:$0x2], $0x80, v4, vm0, $0xb8;
	[tilespmem:$0xA080] =	vst v63  }
0xad: {  	_ = 	snop  }
0xae: {  	[hbm4b:s7+s2] =	stream.indirect_vreg.scatter [tilespmem:s19], [sflag:$0x2], $0x80, v4, vm0, $0xb8;
	[tilespmem:$0xA080] =	vst v63  }
0xaf: {  	_ = 	snop  }
0xb0: {  	[hbm4b:s8+s2] =	stream.indirect_vreg.scatter [tilespmem:s20], [sflag:$0x2], $0x80, v4, vm0, $0xb8;
	[tilespmem:$0xA080] =	vst v63  }
0xb1: {  	_ = 	snop  }
0xb2: {  	[hbm4b:s9+s2] =	stream.indirect_vreg.scatter [tilespmem:s21], [sflag:$0x2], $0x80, v4, vm0, $0xb8;
	[tilespmem:$0xA080] =	vst v63  }
0xb3: {  	v4 =	vld [tilespmem:$0x10];
	_ =	sdelay $0x4  }
0xb4: {  	v5 =	vshll.u32 v4, $0x3  }
0xb5: {  	v4 =	vand.u32 $0x7, v4;
	v5 =	vand.u32 $0xFFFFFFC0, v5  }
0xb6: {  	v4 =	vor.u32 v4, v5  }
0xb7: {  	v5 =	vperm.xlane v4, v1;
	_ =	sdelay $0x1  }
0xb8: {  	v5 =	vadd.s32 v2, v5;
	_ =	sdelay $0x4  }
0xb9: {  	[hbm4b:s3+s2] =	stream.indirect_vreg.scatter [tilespmem:s22], [sflag:$0x2], $0x80, v5, vm0, $0xb8;
	[tilespmem:$0xA080] =	vst v63  }
0xba: {  	v4 =	vperm.xlane v4, v3  }
0xbb: {  	[hbm4b:s7+s2] =	stream.indirect_vreg.scatter [tilespmem:s23], [sflag:$0x2], $0x80, v5, vm0, $0xb8;
	[tilespmem:$0xA080] =	vst v63  }
0xbc: {  	v4 =	vadd.s32 v2, v4  }
0xbd: {  	[hbm4b:s8+s2] =	stream.indirect_vreg.scatter [tilespmem:s24], [sflag:$0x2], $0x80, v5, vm0, $0xb8;
	[tilespmem:$0xA080] =	vst v63  }
0xbe: {  	_ = 	snop  }
0xbf: {  	[hbm4b:s9+s2] =	stream.indirect_vreg.scatter [tilespmem:s25], [sflag:$0x2], $0x80, v5, vm0, $0xb8;
	[tilespmem:$0xA080] =	vst v63  }
0xc0: {  	_ = 	snop  }
0xc1: {  	[hbm4b:s3+s2] =	stream.indirect_vreg.scatter [tilespmem:s26], [sflag:$0x2], $0x80, v4, vm0, $0xb8;
	[tilespmem:$0xA080] =	vst v63  }
0xc2: {  	s31 =	sadd.s32 $0x1, s31  }
0xc3: {  	[hbm4b:s7+s2] =	stream.indirect_vreg.scatter [tilespmem:s28], [sflag:$0x2], $0x80, v4, vm0, $0xb8;
	[tilespmem:$0xA080] =	vst v63  }
0xc4: {  	p0 =	sne.s32 s31, s10  }
0xc5: {  	[hbm4b:s8+s2] =	stream.indirect_vreg.scatter [tilespmem:s29], [sflag:$0x2], $0x80, v4, vm0, $0xb8;
	[tilespmem:$0xA080] =	vst v63  }
.Ltmp1:
0xc6: {  	_ = 	snop;
	(pc) =	sbr.rel @p0 .LBB2_1-.Ltmp1, $4  }
0xc7: {  	[hbm4b:s9+s2] =	stream.indirect_vreg.scatter [tilespmem:s30], [sflag:$0x2], $0x80, v4, vm0, $0xb8;
	[tilespmem:$0xA080] =	vst v63  }
0xc8: {  	_ =	swait.ge [sflag:s11], $0x8000  }
0xc9: {  	[sflag:s11] =	ssyncset.done $0x0  }
0xca: {  	[sflag:s11] =	ssyncadd.s32 $0xFFFF8000  }
0xcb: {  	_ =	sfence.sel $0x180000  }
0xcc: {  	[bflag:$0x0] =	sbarrier.arrive $0xFFFF  }
0xcd: {  	_ =	strace $0x90000047  }
0xce: {  	s0 =	stileid.u32;
	[bflag:$0x2] =	sbarrier.arrive $0xFFFF  }
0xcf: {  	p0 =	sne.s32 s0, $0x0;
	s0 =	rddreg [dreg:$0x2]  }
0xd0: {  	s0 =	sadd.s32 @!p0 $0x100000, s0  }
0xd1: {  	[sflag:s0] =	ssyncadd.tile.s32 @!p0 $0x1;
	_ =	shalt  }
.Lfunc_end2:
_tile_overlayer_lowered:
.L_overlay_start_2:
0xd2: {  	(tag) =	ssettag $0x2  }
0xd3: {  	s0 =	rddreg [dreg:$0x0];
	s2 =	stileid.u32  }
0xd4: {  	s1 =	rddreg [dreg:$0x1];
	p0 =	sne.s32 s2, $0x0  }
0xd5: {  	s3 =	rddreg [dreg:$0x2];
	[bflag:$0x3] =	sbarrier.arrive $0xFFFF;
	s2 =	simm.s32 @!p0 $0x1C02  }
0xd6: {  	[timem:s3], [sflag:s2] =	dma.local @!p0 [hbm:s0], s1  }
0xd7: {  	s0 =	simm.s32 @!p0 $0x2  }
0xd8: {  	_ =	swait.ge @!p0 [sflag:s0], s1  }
0xd9: {  	s1 =	ssub.s32 @!p0 $0x0, s1;
	[sflag:s0] =	ssyncset.done @!p0 $0x0  }
0xda: {  	[sflag:s0] =	ssyncadd.s32 @!p0 s1  }
0xdb: {  	[bflag:$0x3] =	sbarrier.arrive $0xFFFF  }
0xdc: {  	_ =	shalt  }

</sc_bundles>
